<compile_context>
chip_gen: v7x
topology: tpu7x:2x2x1
jax: 0.10.2.dev20260603
libtpu: 0.0.44.dev20260713+nightly
codegen_flags: <defaults>
</compile_context>

<pallas_src>
import functools

import jax
import jax.numpy as jnp
from jax import lax
from jax.experimental import pallas as pl
from jax.experimental.pallas import tpu as pltpu
from jax.experimental.pallas import tpu_sc as plsc

N_NODES = 10000
N_EDGES = 320000
D_IN = 128
D_HID = 256
D_OUT = 128

NC = 2
NS = 16
CHUNK = 128
CPS = 160
STG = 32
NSTG = CPS // STG
N_CHUNKS = NS * CPS
E_PAD = N_CHUNKS * CHUNK
N_HALF = 5120
DUM = 2048
N_ACC = N_HALF + DUM
ZERO_PER_SUB = N_ACC // NS
OUT_PER_SUB = N_HALF // NS
N_OUT = NC * N_HALF


@functools.partial(
    pl.kernel,
    out_type=(
        jax.ShapeDtypeStruct((N_OUT, D_IN), jnp.float32),
        jax.ShapeDtypeStruct((N_OUT, D_IN), jnp.float32),
    ),
    mesh=plsc.VectorSubcoreMesh(core_axis_name="c", subcore_axis_name="s"),
    scratch_types=[
        pltpu.VMEM((STG, CHUNK), jnp.int32),
        pltpu.VMEM((STG, CHUNK), jnp.int32),
        pltpu.VMEM((STG, CHUNK), jnp.int32),
        pltpu.VMEM((CHUNK, D_IN), jnp.float32),
        pltpu.VMEM((CHUNK, D_IN), jnp.float32),
        pltpu.SemaphoreType.DMA,
        pltpu.SemaphoreType.DMA,
        pltpu.VMEM_SHARED((N_ACC, D_IN), jnp.float32),
    ],
)
def _sc_aggregate(x_hbm, row_hbm, col_hbm, zero_hbm, ones_hbm,
                  sums_hbm, cnt_hbm,
                  row_v, col_v, dst_v, msg_a, msg_b, sem_a, sem_b, acc_sh):
    cid = lax.axis_index("c")
    sid = lax.axis_index("s")
    lo = cid * N_HALF
    zbase = sid * ZERO_PER_SUB
    obase = sid * OUT_PER_SUB

    def zero_acc():
        pltpu.sync_copy(zero_hbm.at[pl.ds(zbase, ZERO_PER_SUB)],
                        acc_sh.at[pl.ds(zbase, ZERO_PER_SUB)])

    def edge_pass(accumulate):
        @pl.loop(0, NSTG)
        def _stage(st):
            eb = sid * CPS + st * STG
            pltpu.sync_copy(row_hbm.at[pl.ds(eb, STG)], row_v)
            pltpu.sync_copy(col_hbm.at[pl.ds(eb, STG)], col_v)

            @pl.loop(0, STG)
            def _dst_chunk(j):
                @pl.loop(0, CHUNK, step=16)
                def _dst_vec(c):
                    r = row_v[j, pl.ds(c, 16)]
                    s = col_v[j, pl.ds(c, 16)]
                    local = r - lo
                    keep = (r != s) & (local >= 0) & (local < N_HALF)
                    dummy = N_HALF + (s & (DUM - 1))
                    dst_v[j, pl.ds(c, 16)] = jnp.where(keep, local, dummy)

            @pl.loop(0, STG, step=2)
            def _edge_chunk(j):
                accumulate(j)

    zero_acc()
    plsc.subcore_barrier()

    def _sum_edges(j):
        ga = pltpu.make_async_copy(x_hbm.at[col_v.at[j]], msg_a, sem_a)
        ga.start()
        gb = pltpu.make_async_copy(x_hbm.at[col_v.at[j + 1]], msg_b, sem_b)
        gb.start()
        ga.wait()
        pltpu.sync_copy(msg_a, acc_sh.at[dst_v.at[j]], add=True)
        gb.wait()
        pltpu.sync_copy(msg_b, acc_sh.at[dst_v.at[j + 1]], add=True)

    edge_pass(_sum_edges)
    plsc.subcore_barrier()

    pltpu.sync_copy(acc_sh.at[pl.ds(obase, OUT_PER_SUB)],
                    sums_hbm.at[pl.ds(lo + obase, OUT_PER_SUB)])
    plsc.subcore_barrier()

    zero_acc()
    pltpu.sync_copy(ones_hbm, msg_a)
    plsc.subcore_barrier()

    def _cnt_edges(j):
        pltpu.sync_copy(msg_a, acc_sh.at[dst_v.at[j]], add=True)
        pltpu.sync_copy(msg_a, acc_sh.at[dst_v.at[j + 1]], add=True)

    edge_pass(_cnt_edges)
    plsc.subcore_barrier()

    pltpu.sync_copy(acc_sh.at[pl.ds(obase, OUT_PER_SUB)],
                    cnt_hbm.at[pl.ds(lo + obase, OUT_PER_SUB)])


BLK = 1000


def _mlp_body(x_ref, s_ref, c_ref, w1_ref, b1_ref, w2_ref, b2_ref, o_ref):
    c = c_ref[...][:, 0:1]
    h = x_ref[...] + s_ref[...] / jnp.maximum(c, 1.0)
    h1 = jnp.dot(h, w1_ref[...], preferred_element_type=jnp.float32,
                 precision=lax.Precision.HIGHEST) + b1_ref[...]
    h1 = jnp.maximum(h1, 0.0)
    o_ref[...] = jnp.dot(h1, w2_ref[...], preferred_element_type=jnp.float32,
                         precision=lax.Precision.HIGHEST) + b2_ref[...]


def _tc_mlp(x, s, c, W1, b1, W2, b2):
    return pl.pallas_call(
        _mlp_body,
        grid=(N_NODES // BLK,),
        in_specs=[
            pl.BlockSpec((BLK, D_IN), lambda i: (i, 0)),
            pl.BlockSpec((BLK, D_IN), lambda i: (i, 0)),
            pl.BlockSpec((BLK, D_IN), lambda i: (i, 0)),
            pl.BlockSpec((D_IN, D_HID), lambda i: (0, 0)),
            pl.BlockSpec((1, D_HID), lambda i: (0, 0)),
            pl.BlockSpec((D_HID, D_OUT), lambda i: (0, 0)),
            pl.BlockSpec((1, D_OUT), lambda i: (0, 0)),
        ],
        out_specs=pl.BlockSpec((BLK, D_OUT), lambda i: (i, 0)),
        out_shape=jax.ShapeDtypeStruct((N_NODES, D_OUT), jnp.float32),
    )(x, s, c, W1, b1.reshape(1, D_HID), W2, b2.reshape(1, D_OUT))


def kernel(x, edge_index, W1, b1, W2, b2):
    row = edge_index[0]
    col = edge_index[1]
    pad_n = E_PAD - N_EDGES
    pad_idx = (jnp.arange(pad_n, dtype=jnp.int32) * 97) % N_NODES
    row_p = jnp.concatenate([row, pad_idx]).reshape(N_CHUNKS, CHUNK)
    col_p = jnp.concatenate([col, pad_idx]).reshape(N_CHUNKS, CHUNK)

    zero = jnp.zeros((N_ACC, D_IN), jnp.float32)
    ones = jnp.ones((CHUNK, D_IN), jnp.float32)

    sums, cnts = _sc_aggregate(x, row_p, col_p, zero, ones)

    return _tc_mlp(x, sums[:N_NODES], cnts[:N_NODES], W1, b1, W2, b2)

# --- scband reference (transcript-rebuilt; emitter-appended) ---
"""Pipeline reference for scband-ginmean-conv-39247411151299 (READ-ONLY COPY).

The authoritative reference and input builder live on the scoring server;
editing this copy changes nothing except your own understanding.
"""

import jax, jax.numpy as jnp
import numpy as np

N_NODES = 10000
N_EDGES = 320000
D_IN = 128
D_HID = 256
D_OUT = 128


def setup_inputs(seed: int = 0) -> dict:
    key = jax.random.key(seed)
    k1, k2, k3, k4, k5, k6 = jax.random.split(key, 6)
    x = jax.random.normal(k1, (N_NODES, D_IN), dtype=jnp.float32)
    edge_index = jax.random.randint(k2, (2, N_EDGES), 0, N_NODES, dtype=jnp.int32)
    W1 = jax.random.normal(k3, (D_IN, D_HID), dtype=jnp.float32) * (1.0 / np.sqrt(D_IN))
    b1 = jax.random.normal(k4, (D_HID,), dtype=jnp.float32) * 0.01
    W2 = jax.random.normal(k5, (D_HID, D_OUT), dtype=jnp.float32) * (1.0 / np.sqrt(D_HID))
    b2 = jax.random.normal(k6, (D_OUT,), dtype=jnp.float32) * 0.01
    return {"x": x, "edge_index": edge_index, "W1": W1, "b1": b1, "W2": W2, "b2": b2}


def reference(x, edge_index, W1, b1, W2, b2):
    # GINMeanConv forward: remove self loops, scatter_mean of x[col] into row,
    # then (1 + eps) * x + mean_agg, then MLP h_theta.
    eps = 0.0  # train_eps=False, initial eps=0
    row = edge_index[0]
    col = edge_index[1]
    # remove_self_loops: mask out edges where row == col (keeps static shapes)
    keep = (row != col).astype(x.dtype)
    msg = jnp.take(x, col, axis=0) * keep[:, None]
    sums = jax.ops.segment_sum(msg, row, num_segments=x.shape[0])
    cnt = jax.ops.segment_sum(keep, row, num_segments=x.shape[0])
    # scatter_mean semantics: nodes with zero in-degree get 0
    mean_agg = sums / jnp.clip(cnt, 1.0)[:, None]
    out = (1.0 + eps) * x + mean_agg
    h = jnp.dot(out, W1) + b1
    h = jax.nn.relu(h)
    return jnp.dot(h, W2) + b2

if __name__ == "__main__":
    import jax
    _d = setup_inputs()
    print(jax.jit(kernel)(*tuple(_d.values())))

</pallas_src>

<mosaic_0001>
#map = affine_map<(d0, d1) -> (0, 0)>
module attributes {stable_mosaic.version = 14 : i64} {
  func.func @_sc_aggregate(%arg0: i32, %arg1: i32, %arg2: memref<10000x128xf32, #tpu.memory_space<hbm>>, %arg3: memref<2560x128xi32, #tpu.memory_space<hbm>>, %arg4: memref<2560x128xi32, #tpu.memory_space<hbm>>, %arg5: memref<7168x128xf32, #tpu.memory_space<hbm>>, %arg6: memref<128x128xf32, #tpu.memory_space<hbm>>, %arg7: memref<10240x128xf32, #tpu.memory_space<hbm>>, %arg8: memref<10240x128xf32, #tpu.memory_space<hbm>>, %arg9: memref<32x128xi32, #tpu.memory_space<vmem>>, %arg10: memref<32x128xi32, #tpu.memory_space<vmem>>, %arg11: memref<32x128xi32, #tpu.memory_space<vmem>>, %arg12: memref<128x128xf32, #tpu.memory_space<vmem>>, %arg13: memref<128x128xf32, #tpu.memory_space<vmem>>, %arg14: memref<!tpu.dma_semaphore, #tpu.memory_space<semaphore_mem>>, %arg15: memref<!tpu.dma_semaphore, #tpu.memory_space<semaphore_mem>>, %arg16: memref<7168x128xf32, #tpu.memory_space<vmem_shared>>) attributes {dimension_semantics = [#tpu.dimension_semantics<core_parallel>, #tpu.dimension_semantics<subcore_parallel>], iteration_bounds = array<i64: 2, 16>, scalar_prefetch = 0 : i64, scratch_operands = 8 : i64, tpu.core_type = #tpu.core_type<sc_vector_subcore>, window_params = [{transform_indices = #map}, {transform_indices = #map}, {transform_indices = #map}, {transform_indices = #map}, {transform_indices = #map}, {transform_indices = #map}, {transform_indices = #map}]} {
    %mul3A = arith.constant 5120 : i32
    %mul3A_0 = arith.muli %arg0, %mul3A : i32
    %mul3A_1 = arith.constant 448 : i32
    %mul3A_2 = arith.muli %arg1, %mul3A_1 : i32
    %mul3A_3 = arith.constant 320 : i32
    %mul3A_4 = arith.muli %arg1, %mul3A_3 : i32
    "tpu.region"() ({
      %run_scoped3A = tpu.sem_alloc : memref<!tpu.dma_semaphore, #tpu.memory_space<semaphore_mem>>
      %dma_start3A = arith.constant 0 : i32
      %dma_start3A_19 = tpu.memref_slice %arg16[%mul3A_2, %dma_start3A] : memref<7168x128xf32, #tpu.memory_space<vmem_shared>> -> memref<448x128xf32, #tpu.memory_space<vmem_shared>>
      %dma_start3A_20 = arith.constant 0 : i32
      %dma_start3A_21 = tpu.memref_slice %arg5[%mul3A_2, %dma_start3A_20] : memref<7168x128xf32, #tpu.memory_space<hbm>> -> memref<448x128xf32, #tpu.memory_space<hbm>>
      tpu.enqueue_dma source(%dma_start3A_21 : memref<448x128xf32, #tpu.memory_space<hbm>>) target(%dma_start3A_19 : memref<448x128xf32, #tpu.memory_space<vmem_shared>>) target_semaphore(%run_scoped3A : memref<!tpu.dma_semaphore, #tpu.memory_space<semaphore_mem>>)
      %dma_wait3A = arith.constant 0 : i32
      %dma_wait3A_22 = tpu.memref_slice %arg16[%mul3A_2, %dma_wait3A] : memref<7168x128xf32, #tpu.memory_space<vmem_shared>> -> memref<448x128xf32, #tpu.memory_space<vmem_shared>>
      %dma_wait3A_23 = arith.constant 0 : i32
      %dma_wait3A_24 = tpu.memref_slice %arg5[%mul3A_2, %dma_wait3A_23] : memref<7168x128xf32, #tpu.memory_space<hbm>> -> memref<448x128xf32, #tpu.memory_space<hbm>>
      tpu.wait_dma2 semaphore(%run_scoped3A : memref<!tpu.dma_semaphore, #tpu.memory_space<semaphore_mem>>) src(%dma_wait3A_24 : memref<448x128xf32, #tpu.memory_space<hbm>>) dst(%dma_wait3A_22 : memref<448x128xf32, #tpu.memory_space<vmem_shared>>)
      tpu.yield
    }) : () -> ()
    %barrier3A = arith.constant 0 : index
    tpu.barrier barrier_id(%barrier3A)
    %scan3A = arith.constant 0 : i32
    %scan3A_5 = arith.constant 5 : i32
    %scan3A_6 = arith.addi %scan3A, %scan3A_5 : i32
    %scan3A_7 = arith.constant 1 : i32
    scf.for %scan3A_19 = %scan3A to %scan3A_6 step %scan3A_7  : i32 {
      %mul3A_20 = arith.constant 1 : i32
      %mul3A_21 = arith.muli %scan3A_19, %mul3A_20 : i32
      %add3A_22 = arith.constant 0 : i32
      %add3A_23 = arith.addi %add3A_22, %mul3A_21 : i32
      %mul3A_24 = arith.constant 160 : i32
      %mul3A_25 = arith.muli %arg1, %mul3A_24 : i32
      %mul3A_26 = arith.constant 32 : i32
      %mul3A_27 = arith.muli %add3A_23, %mul3A_26 : i32
      %add3A_28 = arith.addi %mul3A_25, %mul3A_27 : i32
      "tpu.region"() ({
        %run_scoped3A = tpu.sem_alloc : memref<!tpu.dma_semaphore, #tpu.memory_space<semaphore_mem>>
        %dma_start3A = arith.constant 0 : i32
        %dma_start3A_39 = tpu.memref_slice %arg3[%add3A_28, %dma_start3A] : memref<2560x128xi32, #tpu.memory_space<hbm>> -> memref<32x128xi32, #tpu.memory_space<hbm>>
        %dma_start3A_40 = arith.constant 0 : i32
        %dma_start3A_41 = tpu.memref_slice %arg3[%add3A_28, %dma_start3A_40] : memref<2560x128xi32, #tpu.memory_space<hbm>> -> memref<32x128xi32, #tpu.memory_space<hbm>>
        tpu.enqueue_dma source(%dma_start3A_41 : memref<32x128xi32, #tpu.memory_space<hbm>>) target(%arg9 : memref<32x128xi32, #tpu.memory_space<vmem>>) target_semaphore(%run_scoped3A : memref<!tpu.dma_semaphore, #tpu.memory_space<semaphore_mem>>)
        %dma_wait3A = arith.constant 0 : i32
        %dma_wait3A_42 = tpu.memref_slice %arg3[%add3A_28, %dma_wait3A] : memref<2560x128xi32, #tpu.memory_space<hbm>> -> memref<32x128xi32, #tpu.memory_space<hbm>>
        %dma_wait3A_43 = arith.constant 0 : i32
        %dma_wait3A_44 = tpu.memref_slice %arg3[%add3A_28, %dma_wait3A_43] : memref<2560x128xi32, #tpu.memory_space<hbm>> -> memref<32x128xi32, #tpu.memory_space<hbm>>
        tpu.wait_dma2 semaphore(%run_scoped3A : memref<!tpu.dma_semaphore, #tpu.memory_space<semaphore_mem>>) src(%dma_wait3A_44 : memref<32x128xi32, #tpu.memory_space<hbm>>) dst(%arg9 : memref<32x128xi32, #tpu.memory_space<vmem>>)
        tpu.yield
      }) : () -> ()
      "tpu.region"() ({
        %run_scoped3A = tpu.sem_alloc : memref<!tpu.dma_semaphore, #tpu.memory_space<semaphore_mem>>
        %dma_start3A = arith.constant 0 : i32
        %dma_start3A_39 = tpu.memref_slice %arg4[%add3A_28, %dma_start3A] : memref<2560x128xi32, #tpu.memory_space<hbm>> -> memref<32x128xi32, #tpu.memory_space<hbm>>
        %dma_start3A_40 = arith.constant 0 : i32
        %dma_start3A_41 = tpu.memref_slice %arg4[%add3A_28, %dma_start3A_40] : memref<2560x128xi32, #tpu.memory_space<hbm>> -> memref<32x128xi32, #tpu.memory_space<hbm>>
        tpu.enqueue_dma source(%dma_start3A_41 : memref<32x128xi32, #tpu.memory_space<hbm>>) target(%arg10 : memref<32x128xi32, #tpu.memory_space<vmem>>) target_semaphore(%run_scoped3A : memref<!tpu.dma_semaphore, #tpu.memory_space<semaphore_mem>>)
        %dma_wait3A = arith.constant 0 : i32
        %dma_wait3A_42 = tpu.memref_slice %arg4[%add3A_28, %dma_wait3A] : memref<2560x128xi32, #tpu.memory_space<hbm>> -> memref<32x128xi32, #tpu.memory_space<hbm>>
        %dma_wait3A_43 = arith.constant 0 : i32
        %dma_wait3A_44 = tpu.memref_slice %arg4[%add3A_28, %dma_wait3A_43] : memref<2560x128xi32, #tpu.memory_space<hbm>> -> memref<32x128xi32, #tpu.memory_space<hbm>>
        tpu.wait_dma2 semaphore(%run_scoped3A : memref<!tpu.dma_semaphore, #tpu.memory_space<semaphore_mem>>) src(%dma_wait3A_44 : memref<32x128xi32, #tpu.memory_space<hbm>>) dst(%arg10 : memref<32x128xi32, #tpu.memory_space<vmem>>)
        tpu.yield
      }) : () -> ()
      %scan3A_29 = arith.constant 0 : i32
      %scan3A_30 = arith.constant 32 : i32
      %scan3A_31 = arith.addi %scan3A_29, %scan3A_30 : i32
      %scan3A_32 = arith.constant 1 : i32
      scf.for %scan3A_39 = %scan3A_29 to %scan3A_31 step %scan3A_32  : i32 {
        %mul3A_40 = arith.constant 1 : i32
        %mul3A_41 = arith.muli %scan3A_39, %mul3A_40 : i32
        %add3A_42 = arith.constant 0 : i32
        %add3A_43 = arith.addi %add3A_42, %mul3A_41 : i32
        %scan3A_44 = arith.constant 0 : i32
        %scan3A_45 = arith.constant 8 : i32
        %scan3A_46 = arith.addi %scan3A_44, %scan3A_45 : i32
        %scan3A_47 = arith.constant 1 : i32
        scf.for %scan3A_49 = %scan3A_44 to %scan3A_46 step %scan3A_47  : i32 {
          %mul3A_50 = arith.constant 16 : i32
          %mul3A_51 = arith.muli %scan3A_49, %mul3A_50 : i32
          %add3A_52 = arith.constant 0 : i32
          %add3A_53 = arith.addi %add3A_52, %mul3A_51 : i32
          %get3A = arith.index_cast %add3A_43 : i32 to index
          %get3A_54 = arith.index_cast %add3A_53 : i32 to index
          %get3A_55 = tpu.vector_load %arg9[%get3A, %get3A_54] {strides = array<i32>} : memref<32x128xi32, #tpu.memory_space<vmem>>, vector<1x16xi32>,
          %get3A_56 = vector.shape_cast %get3A_55 : vector<1x16xi32> to vector<16xi32>
          %get3A_57 = arith.index_cast %add3A_43 : i32 to index
          %get3A_58 = arith.index_cast %add3A_53 : i32 to index
          %get3A_59 = tpu.vector_load %arg10[%get3A_57, %get3A_58] {strides = array<i32>} : memref<32x128xi32, #tpu.memory_space<vmem>>, vector<1x16xi32>,
          %get3A_60 = vector.shape_cast %get3A_59 : vector<1x16xi32> to vector<16xi32>
          %sub3A = vector.broadcast %mul3A_0 : i32 to vector<16xi32>
          %sub3A_61 = arith.subi %get3A_56, %sub3A : vector<16xi32>
          %ne3A = arith.cmpi ne, %get3A_56, %get3A_60 : vector<16xi32>
          %ge3A = arith.constant 0 : i32
          %ge3A_62 = vector.broadcast %ge3A : i32 to vector<16xi32>
          %ge3A_63 = arith.cmpi sge, %sub3A_61, %ge3A_62 : vector<16xi32>
          %and3A = arith.andi %ne3A, %ge3A_63 : vector<16xi1>
          %lt3A = arith.constant 5120 : i32
          %lt3A_64 = vector.broadcast %lt3A : i32 to vector<16xi32>
          %lt3A_65 = arith.cmpi slt, %sub3A_61, %lt3A_64 : vector<16xi32>
          %and3A_66 = arith.andi %and3A, %lt3A_65 : vector<16xi1>
          %and3A_67 = arith.constant 2047 : i32
          %and3A_68 = vector.broadcast %and3A_67 : i32 to vector<16xi32>
          %and3A_69 = arith.andi %get3A_60, %and3A_68 : vector<16xi32>
          %add3A_70 = arith.constant 5120 : i32
          %add3A_71 = vector.broadcast %add3A_70 : i32 to vector<16xi32>
          %add3A_72 = arith.addi %add3A_71, %and3A_69 : vector<16xi32>
          %select_n3A = arith.select %and3A_66, %sub3A_61, %add3A_72 : vector<16xi1>, vector<16xi32>
          %swap3A = arith.index_cast %add3A_43 : i32 to index
          %swap3A_73 = arith.index_cast %add3A_53 : i32 to index
          %swap3A_74 = tpu.vector_load %arg11[%swap3A, %swap3A_73] {strides = array<i32>} : memref<32x128xi32, #tpu.memory_space<vmem>>, vector<1x16xi32>,
          %swap3A_75 = vector.shape_cast %swap3A_74 : vector<1x16xi32> to vector<16xi32>
          %swap3A_76 = vector.shape_cast %select_n3A : vector<16xi32> to vector<1x16xi32>
          tpu.vector_store %arg11[%swap3A, %swap3A_73], %swap3A_76 {strides = array<i32>} : memref<32x128xi32, #tpu.memory_space<vmem>>, vector<1x16xi32>,
        }
        %scan3A_48 = arith.constant 8 : i32
      }
      %scan3A_33 = arith.constant 32 : i32
      %scan3A_34 = arith.constant 0 : i32
      %scan3A_35 = arith.constant 16 : i32
      %scan3A_36 = arith.addi %scan3A_34, %scan3A_35 : i32
      %scan3A_37 = arith.constant 1 : i32
      scf.for %scan3A_39 = %scan3A_34 to %scan3A_36 step %scan3A_37  : i32 {
        %mul3A_40 = arith.constant 2 : i32
        %mul3A_41 = arith.muli %scan3A_39, %mul3A_40 : i32
        %add3A_42 = arith.constant 0 : i32
        %add3A_43 = arith.addi %add3A_42, %mul3A_41 : i32
        %dma_start3A = arith.constant 0 : i32
        %dma_start3A_44 = tpu.memref_slice %arg10[%add3A_43, %dma_start3A] : memref<32x128xi32, #tpu.memory_space<vmem>> -> memref<1x128xi32, #tpu.memory_space<vmem>>
        %dma_start3A_45 = tpu.memref_squeeze %dma_start3A_44 : memref<1x128xi32, #tpu.memory_space<vmem>> -> memref<128xi32, #tpu.memory_space<vmem>>
        %dma_start3A_46 = arith.constant 0 : i32
        %dma_start3A_47 = arith.constant 0 : i32
        %dma_start3A_48 = tpu.memref_slice %arg2[%dma_start3A_46, %dma_start3A_47] : memref<10000x128xf32, #tpu.memory_space<hbm>> -> memref<10000x128xf32, #tpu.memory_space<hbm>>
        tpu.enqueue_indirect_dma source(%dma_start3A_48 : memref<10000x128xf32, #tpu.memory_space<hbm>>) target(%arg12 : memref<128x128xf32, #tpu.memory_space<vmem>>) offsets(%dma_start3A_45 : memref<128xi32, #tpu.memory_space<vmem>>) semaphore(%arg14 : memref<!tpu.dma_semaphore, #tpu.memory_space<semaphore_mem>>)
        %add3A_49 = arith.constant 1 : i32
        %add3A_50 = arith.addi %add3A_43, %add3A_49 : i32
        %dma_start3A_51 = arith.constant 0 : i32
        %dma_start3A_52 = tpu.memref_slice %arg10[%add3A_50, %dma_start3A_51] : memref<32x128xi32, #tpu.memory_space<vmem>> -> memref<1x128xi32, #tpu.memory_space<vmem>>
        %dma_start3A_53 = tpu.memref_squeeze %dma_start3A_52 : memref<1x128xi32, #tpu.memory_space<vmem>> -> memref<128xi32, #tpu.memory_space<vmem>>
        %dma_start3A_54 = arith.constant 0 : i32
        %dma_start3A_55 = arith.constant 0 : i32
        %dma_start3A_56 = tpu.memref_slice %arg2[%dma_start3A_54, %dma_start3A_55] : memref<10000x128xf32, #tpu.memory_space<hbm>> -> memref<10000x128xf32, #tpu.memory_space<hbm>>
        tpu.enqueue_indirect_dma source(%dma_start3A_56 : memref<10000x128xf32, #tpu.memory_space<hbm>>) target(%arg13 : memref<128x128xf32, #tpu.memory_space<vmem>>) offsets(%dma_start3A_53 : memref<128xi32, #tpu.memory_space<vmem>>) semaphore(%arg15 : memref<!tpu.dma_semaphore, #tpu.memory_space<semaphore_mem>>)
        %dma_wait3A = arith.constant 0 : i32
        %dma_wait3A_57 = tpu.memref_slice %arg10[%add3A_43, %dma_wait3A] : memref<32x128xi32, #tpu.memory_space<vmem>> -> memref<1x128xi32, #tpu.memory_space<vmem>>
        %dma_wait3A_58 = tpu.memref_squeeze %dma_wait3A_57 : memref<1x128xi32, #tpu.memory_space<vmem>> -> memref<128xi32, #tpu.memory_space<vmem>>
        %dma_wait3A_59 = arith.constant 0 : i32
        %dma_wait3A_60 = arith.constant 0 : i32
        %dma_wait3A_61 = tpu.memref_slice %arg2[%dma_wait3A_59, %dma_wait3A_60] : memref<10000x128xf32, #tpu.memory_space<hbm>> -> memref<10000x128xf32, #tpu.memory_space<hbm>>
        tpu.wait_indirect_dma semaphore(%arg14 : memref<!tpu.dma_semaphore, #tpu.memory_space<semaphore_mem>>) src(%dma_wait3A_61 : memref<10000x128xf32, #tpu.memory_space<hbm>>) dst(%arg12 : memref<128x128xf32, #tpu.memory_space<vmem>>)
        "tpu.region"() ({
          %run_scoped3A = tpu.sem_alloc : memref<!tpu.dma_semaphore, #tpu.memory_space<semaphore_mem>>
          %dma_start3A_70 = arith.constant 0 : i32
          %dma_start3A_71 = tpu.memref_slice %arg11[%add3A_43, %dma_start3A_70] : memref<32x128xi32, #tpu.memory_space<vmem>> -> memref<1x128xi32, #tpu.memory_space<vmem>>
          %dma_start3A_72 = tpu.memref_squeeze %dma_start3A_71 : memref<1x128xi32, #tpu.memory_space<vmem>> -> memref<128xi32, #tpu.memory_space<vmem>>
          %dma_start3A_73 = arith.constant 0 : i32
          %dma_start3A_74 = arith.constant 0 : i32
          %dma_start3A_75 = tpu.memref_slice %arg16[%dma_start3A_73, %dma_start3A_74] : memref<7168x128xf32, #tpu.memory_space<vmem_shared>> -> memref<7168x128xf32, #tpu.memory_space<vmem_shared>>
          tpu.enqueue_indirect_dma source(%arg12 : memref<128x128xf32, #tpu.memory_space<vmem>>) target(%dma_start3A_75 : memref<7168x128xf32, #tpu.memory_space<vmem_shared>>) offsets(%dma_start3A_72 : memref<128xi32, #tpu.memory_space<vmem>>) semaphore(%run_scoped3A : memref<!tpu.dma_semaphore, #tpu.memory_space<semaphore_mem>>) {add = true}
          %dma_wait3A_76 = arith.constant 0 : i32
          %dma_wait3A_77 = tpu.memref_slice %arg11[%add3A_43, %dma_wait3A_76] : memref<32x128xi32, #tpu.memory_space<vmem>> -> memref<1x128xi32, #tpu.memory_space<vmem>>
          %dma_wait3A_78 = tpu.memref_squeeze %dma_wait3A_77 : memref<1x128xi32, #tpu.memory_space<vmem>> -> memref<128xi32, #tpu.memory_space<vmem>>
          %dma_wait3A_79 = arith.constant 0 : i32
          %dma_wait3A_80 = arith.constant 0 : i32
          %dma_wait3A_81 = tpu.memref_slice %arg16[%dma_wait3A_79, %dma_wait3A_80] : memref<7168x128xf32, #tpu.memory_space<vmem_shared>> -> memref<7168x128xf32, #tpu.memory_space<vmem_shared>>
          tpu.wait_indirect_dma semaphore(%run_scoped3A : memref<!tpu.dma_semaphore, #tpu.memory_space<semaphore_mem>>) src(%arg12 : memref<128x128xf32, #tpu.memory_space<vmem>>) dst(%dma_wait3A_81 : memref<7168x128xf32, #tpu.memory_space<vmem_shared>>)
          tpu.yield
        }) : () -> ()
        %dma_wait3A_62 = arith.constant 0 : i32
        %dma_wait3A_63 = tpu.memref_slice %arg10[%add3A_50, %dma_wait3A_62] : memref<32x128xi32, #tpu.memory_space<vmem>> -> memref<1x128xi32, #tpu.memory_space<vmem>>
        %dma_wait3A_64 = tpu.memref_squeeze %dma_wait3A_63 : memref<1x128xi32, #tpu.memory_space<vmem>> -> memref<128xi32, #tpu.memory_space<vmem>>
        %dma_wait3A_65 = arith.constant 0 : i32
        %dma_wait3A_66 = arith.constant 0 : i32
        %dma_wait3A_67 = tpu.memref_slice %arg2[%dma_wait3A_65, %dma_wait3A_66] : memref<10000x128xf32, #tpu.memory_space<hbm>> -> memref<10000x128xf32, #tpu.memory_space<hbm>>
        tpu.wait_indirect_dma semaphore(%arg15 : memref<!tpu.dma_semaphore, #tpu.memory_space<semaphore_mem>>) src(%dma_wait3A_67 : memref<10000x128xf32, #tpu.memory_space<hbm>>) dst(%arg13 : memref<128x128xf32, #tpu.memory_space<vmem>>)
        %add3A_68 = arith.constant 1 : i32
        %add3A_69 = arith.addi %add3A_43, %add3A_68 : i32
        "tpu.region"() ({
          %run_scoped3A = tpu.sem_alloc : memref<!tpu.dma_semaphore, #tpu.memory_space<semaphore_mem>>
          %dma_start3A_70 = arith.constant 0 : i32
          %dma_start3A_71 = tpu.memref_slice %arg11[%add3A_69, %dma_start3A_70] : memref<32x128xi32, #tpu.memory_space<vmem>> -> memref<1x128xi32, #tpu.memory_space<vmem>>
          %dma_start3A_72 = tpu.memref_squeeze %dma_start3A_71 : memref<1x128xi32, #tpu.memory_space<vmem>> -> memref<128xi32, #tpu.memory_space<vmem>>
          %dma_start3A_73 = arith.constant 0 : i32
          %dma_start3A_74 = arith.constant 0 : i32
          %dma_start3A_75 = tpu.memref_slice %arg16[%dma_start3A_73, %dma_start3A_74] : memref<7168x128xf32, #tpu.memory_space<vmem_shared>> -> memref<7168x128xf32, #tpu.memory_space<vmem_shared>>
          tpu.enqueue_indirect_dma source(%arg13 : memref<128x128xf32, #tpu.memory_space<vmem>>) target(%dma_start3A_75 : memref<7168x128xf32, #tpu.memory_space<vmem_shared>>) offsets(%dma_start3A_72 : memref<128xi32, #tpu.memory_space<vmem>>) semaphore(%run_scoped3A : memref<!tpu.dma_semaphore, #tpu.memory_space<semaphore_mem>>) {add = true}
          %dma_wait3A_76 = arith.constant 0 : i32
          %dma_wait3A_77 = tpu.memref_slice %arg11[%add3A_69, %dma_wait3A_76] : memref<32x128xi32, #tpu.memory_space<vmem>> -> memref<1x128xi32, #tpu.memory_space<vmem>>
          %dma_wait3A_78 = tpu.memref_squeeze %dma_wait3A_77 : memref<1x128xi32, #tpu.memory_space<vmem>> -> memref<128xi32, #tpu.memory_space<vmem>>
          %dma_wait3A_79 = arith.constant 0 : i32
          %dma_wait3A_80 = arith.constant 0 : i32
          %dma_wait3A_81 = tpu.memref_slice %arg16[%dma_wait3A_79, %dma_wait3A_80] : memref<7168x128xf32, #tpu.memory_space<vmem_shared>> -> memref<7168x128xf32, #tpu.memory_space<vmem_shared>>
          tpu.wait_indirect_dma semaphore(%run_scoped3A : memref<!tpu.dma_semaphore, #tpu.memory_space<semaphore_mem>>) src(%arg13 : memref<128x128xf32, #tpu.memory_space<vmem>>) dst(%dma_wait3A_81 : memref<7168x128xf32, #tpu.memory_space<vmem_shared>>)
          tpu.yield
        }) : () -> ()
      }
      %scan3A_38 = arith.constant 16 : i32
    }
    %scan3A_8 = arith.constant 5 : i32
    %barrier3A_9 = arith.constant 0 : index
    tpu.barrier barrier_id(%barrier3A_9)
    %add3A = arith.addi %mul3A_0, %mul3A_4 : i32
    "tpu.region"() ({
      %run_scoped3A = tpu.sem_alloc : memref<!tpu.dma_semaphore, #tpu.memory_space<semaphore_mem>>
      %dma_start3A = arith.constant 0 : i32
      %dma_start3A_19 = tpu.memref_slice %arg7[%add3A, %dma_start3A] : memref<10240x128xf32, #tpu.memory_space<hbm>> -> memref<320x128xf32, #tpu.memory_space<hbm>>
      %dma_start3A_20 = arith.constant 0 : i32
      %dma_start3A_21 = tpu.memref_slice %arg16[%mul3A_4, %dma_start3A_20] : memref<7168x128xf32, #tpu.memory_space<vmem_shared>> -> memref<320x128xf32, #tpu.memory_space<vmem_shared>>
      tpu.enqueue_dma source(%dma_start3A_21 : memref<320x128xf32, #tpu.memory_space<vmem_shared>>) target(%dma_start3A_19 : memref<320x128xf32, #tpu.memory_space<hbm>>) target_semaphore(%run_scoped3A : memref<!tpu.dma_semaphore, #tpu.memory_space<semaphore_mem>>)
      %dma_wait3A = arith.constant 0 : i32
      %dma_wait3A_22 = tpu.memref_slice %arg7[%add3A, %dma_wait3A] : memref<10240x128xf32, #tpu.memory_space<hbm>> -> memref<320x128xf32, #tpu.memory_space<hbm>>
      %dma_wait3A_23 = arith.constant 0 : i32
      %dma_wait3A_24 = tpu.memref_slice %arg16[%mul3A_4, %dma_wait3A_23] : memref<7168x128xf32, #tpu.memory_space<vmem_shared>> -> memref<320x128xf32, #tpu.memory_space<vmem_shared>>
      tpu.wait_dma2 semaphore(%run_scoped3A : memref<!tpu.dma_semaphore, #tpu.memory_space<semaphore_mem>>) src(%dma_wait3A_24 : memref<320x128xf32, #tpu.memory_space<vmem_shared>>) dst(%dma_wait3A_22 : memref<320x128xf32, #tpu.memory_space<hbm>>)
      tpu.yield
    }) : () -> ()
    %barrier3A_10 = arith.constant 0 : index
    tpu.barrier barrier_id(%barrier3A_10)
    "tpu.region"() ({
      %run_scoped3A = tpu.sem_alloc : memref<!tpu.dma_semaphore, #tpu.memory_space<semaphore_mem>>
      %dma_start3A = arith.constant 0 : i32
      %dma_start3A_19 = tpu.memref_slice %arg16[%mul3A_2, %dma_start3A] : memref<7168x128xf32, #tpu.memory_space<vmem_shared>> -> memref<448x128xf32, #tpu.memory_space<vmem_shared>>
      %dma_start3A_20 = arith.constant 0 : i32
      %dma_start3A_21 = tpu.memref_slice %arg5[%mul3A_2, %dma_start3A_20] : memref<7168x128xf32, #tpu.memory_space<hbm>> -> memref<448x128xf32, #tpu.memory_space<hbm>>
      tpu.enqueue_dma source(%dma_start3A_21 : memref<448x128xf32, #tpu.memory_space<hbm>>) target(%dma_start3A_19 : memref<448x128xf32, #tpu.memory_space<vmem_shared>>) target_semaphore(%run_scoped3A : memref<!tpu.dma_semaphore, #tpu.memory_space<semaphore_mem>>)
      %dma_wait3A = arith.constant 0 : i32
      %dma_wait3A_22 = tpu.memref_slice %arg16[%mul3A_2, %dma_wait3A] : memref<7168x128xf32, #tpu.memory_space<vmem_shared>> -> memref<448x128xf32, #tpu.memory_space<vmem_shared>>
      %dma_wait3A_23 = arith.constant 0 : i32
      %dma_wait3A_24 = tpu.memref_slice %arg5[%mul3A_2, %dma_wait3A_23] : memref<7168x128xf32, #tpu.memory_space<hbm>> -> memref<448x128xf32, #tpu.memory_space<hbm>>
      tpu.wait_dma2 semaphore(%run_scoped3A : memref<!tpu.dma_semaphore, #tpu.memory_space<semaphore_mem>>) src(%dma_wait3A_24 : memref<448x128xf32, #tpu.memory_space<hbm>>) dst(%dma_wait3A_22 : memref<448x128xf32, #tpu.memory_space<vmem_shared>>)
      tpu.yield
    }) : () -> ()
    "tpu.region"() ({
      %run_scoped3A = tpu.sem_alloc : memref<!tpu.dma_semaphore, #tpu.memory_space<semaphore_mem>>
      tpu.enqueue_dma source(%arg6 : memref<128x128xf32, #tpu.memory_space<hbm>>) target(%arg12 : memref<128x128xf32, #tpu.memory_space<vmem>>) target_semaphore(%run_scoped3A : memref<!tpu.dma_semaphore, #tpu.memory_space<semaphore_mem>>)
      tpu.wait_dma2 semaphore(%run_scoped3A : memref<!tpu.dma_semaphore, #tpu.memory_space<semaphore_mem>>) src(%arg6 : memref<128x128xf32, #tpu.memory_space<hbm>>) dst(%arg12 : memref<128x128xf32, #tpu.memory_space<vmem>>)
      tpu.yield
    }) : () -> ()
    %barrier3A_11 = arith.constant 0 : index
    tpu.barrier barrier_id(%barrier3A_11)
    %scan3A_12 = arith.constant 0 : i32
    %scan3A_13 = arith.constant 5 : i32
    %scan3A_14 = arith.addi %scan3A_12, %scan3A_13 : i32
    %scan3A_15 = arith.constant 1 : i32
    scf.for %scan3A_19 = %scan3A_12 to %scan3A_14 step %scan3A_15  : i32 {
      %mul3A_20 = arith.constant 1 : i32
      %mul3A_21 = arith.muli %scan3A_19, %mul3A_20 : i32
      %add3A_22 = arith.constant 0 : i32
      %add3A_23 = arith.addi %add3A_22, %mul3A_21 : i32
      %mul3A_24 = arith.constant 160 : i32
      %mul3A_25 = arith.muli %arg1, %mul3A_24 : i32
      %mul3A_26 = arith.constant 32 : i32
      %mul3A_27 = arith.muli %add3A_23, %mul3A_26 : i32
      %add3A_28 = arith.addi %mul3A_25, %mul3A_27 : i32
      "tpu.region"() ({
        %run_scoped3A = tpu.sem_alloc : memref<!tpu.dma_semaphore, #tpu.memory_space<semaphore_mem>>
        %dma_start3A = arith.constant 0 : i32
        %dma_start3A_39 = tpu.memref_slice %arg3[%add3A_28, %dma_start3A] : memref<2560x128xi32, #tpu.memory_space<hbm>> -> memref<32x128xi32, #tpu.memory_space<hbm>>
        %dma_start3A_40 = arith.constant 0 : i32
        %dma_start3A_41 = tpu.memref_slice %arg3[%add3A_28, %dma_start3A_40] : memref<2560x128xi32, #tpu.memory_space<hbm>> -> memref<32x128xi32, #tpu.memory_space<hbm>>
        tpu.enqueue_dma source(%dma_start3A_41 : memref<32x128xi32, #tpu.memory_space<hbm>>) target(%arg9 : memref<32x128xi32, #tpu.memory_space<vmem>>) target_semaphore(%run_scoped3A : memref<!tpu.dma_semaphore, #tpu.memory_space<semaphore_mem>>)
        %dma_wait3A = arith.constant 0 : i32
        %dma_wait3A_42 = tpu.memref_slice %arg3[%add3A_28, %dma_wait3A] : memref<2560x128xi32, #tpu.memory_space<hbm>> -> memref<32x128xi32, #tpu.memory_space<hbm>>
        %dma_wait3A_43 = arith.constant 0 : i32
        %dma_wait3A_44 = tpu.memref_slice %arg3[%add3A_28, %dma_wait3A_43] : memref<2560x128xi32, #tpu.memory_space<hbm>> -> memref<32x128xi32, #tpu.memory_space<hbm>>
        tpu.wait_dma2 semaphore(%run_scoped3A : memref<!tpu.dma_semaphore, #tpu.memory_space<semaphore_mem>>) src(%dma_wait3A_44 : memref<32x128xi32, #tpu.memory_space<hbm>>) dst(%arg9 : memref<32x128xi32, #tpu.memory_space<vmem>>)
        tpu.yield
      }) : () -> ()
      "tpu.region"() ({
        %run_scoped3A = tpu.sem_alloc : memref<!tpu.dma_semaphore, #tpu.memory_space<semaphore_mem>>
        %dma_start3A = arith.constant 0 : i32
        %dma_start3A_39 = tpu.memref_slice %arg4[%add3A_28, %dma_start3A] : memref<2560x128xi32, #tpu.memory_space<hbm>> -> memref<32x128xi32, #tpu.memory_space<hbm>>
        %dma_start3A_40 = arith.constant 0 : i32
        %dma_start3A_41 = tpu.memref_slice %arg4[%add3A_28, %dma_start3A_40] : memref<2560x128xi32, #tpu.memory_space<hbm>> -> memref<32x128xi32, #tpu.memory_space<hbm>>
        tpu.enqueue_dma source(%dma_start3A_41 : memref<32x128xi32, #tpu.memory_space<hbm>>) target(%arg10 : memref<32x128xi32, #tpu.memory_space<vmem>>) target_semaphore(%run_scoped3A : memref<!tpu.dma_semaphore, #tpu.memory_space<semaphore_mem>>)
        %dma_wait3A = arith.constant 0 : i32
        %dma_wait3A_42 = tpu.memref_slice %arg4[%add3A_28, %dma_wait3A] : memref<2560x128xi32, #tpu.memory_space<hbm>> -> memref<32x128xi32, #tpu.memory_space<hbm>>
        %dma_wait3A_43 = arith.constant 0 : i32
        %dma_wait3A_44 = tpu.memref_slice %arg4[%add3A_28, %dma_wait3A_43] : memref<2560x128xi32, #tpu.memory_space<hbm>> -> memref<32x128xi32, #tpu.memory_space<hbm>>
        tpu.wait_dma2 semaphore(%run_scoped3A : memref<!tpu.dma_semaphore, #tpu.memory_space<semaphore_mem>>) src(%dma_wait3A_44 : memref<32x128xi32, #tpu.memory_space<hbm>>) dst(%arg10 : memref<32x128xi32, #tpu.memory_space<vmem>>)
        tpu.yield
      }) : () -> ()
      %scan3A_29 = arith.constant 0 : i32
      %scan3A_30 = arith.constant 32 : i32
      %scan3A_31 = arith.addi %scan3A_29, %scan3A_30 : i32
      %scan3A_32 = arith.constant 1 : i32
      scf.for %scan3A_39 = %scan3A_29 to %scan3A_31 step %scan3A_32  : i32 {
        %mul3A_40 = arith.constant 1 : i32
        %mul3A_41 = arith.muli %scan3A_39, %mul3A_40 : i32
        %add3A_42 = arith.constant 0 : i32
        %add3A_43 = arith.addi %add3A_42, %mul3A_41 : i32
        %scan3A_44 = arith.constant 0 : i32
        %scan3A_45 = arith.constant 8 : i32
        %scan3A_46 = arith.addi %scan3A_44, %scan3A_45 : i32
        %scan3A_47 = arith.constant 1 : i32
        scf.for %scan3A_49 = %scan3A_44 to %scan3A_46 step %scan3A_47  : i32 {
          %mul3A_50 = arith.constant 16 : i32
          %mul3A_51 = arith.muli %scan3A_49, %mul3A_50 : i32
          %add3A_52 = arith.constant 0 : i32
          %add3A_53 = arith.addi %add3A_52, %mul3A_51 : i32
          %get3A = arith.index_cast %add3A_43 : i32 to index
          %get3A_54 = arith.index_cast %add3A_53 : i32 to index
          %get3A_55 = tpu.vector_load %arg9[%get3A, %get3A_54] {strides = array<i32>} : memref<32x128xi32, #tpu.memory_space<vmem>>, vector<1x16xi32>,
          %get3A_56 = vector.shape_cast %get3A_55 : vector<1x16xi32> to vector<16xi32>
          %get3A_57 = arith.index_cast %add3A_43 : i32 to index
          %get3A_58 = arith.index_cast %add3A_53 : i32 to index
          %get3A_59 = tpu.vector_load %arg10[%get3A_57, %get3A_58] {strides = array<i32>} : memref<32x128xi32, #tpu.memory_space<vmem>>, vector<1x16xi32>,
          %get3A_60 = vector.shape_cast %get3A_59 : vector<1x16xi32> to vector<16xi32>
          %sub3A = vector.broadcast %mul3A_0 : i32 to vector<16xi32>
          %sub3A_61 = arith.subi %get3A_56, %sub3A : vector<16xi32>
          %ne3A = arith.cmpi ne, %get3A_56, %get3A_60 : vector<16xi32>
          %ge3A = arith.constant 0 : i32
          %ge3A_62 = vector.broadcast %ge3A : i32 to vector<16xi32>
          %ge3A_63 = arith.cmpi sge, %sub3A_61, %ge3A_62 : vector<16xi32>
          %and3A = arith.andi %ne3A, %ge3A_63 : vector<16xi1>
          %lt3A = arith.constant 5120 : i32
          %lt3A_64 = vector.broadcast %lt3A : i32 to vector<16xi32>
          %lt3A_65 = arith.cmpi slt, %sub3A_61, %lt3A_64 : vector<16xi32>
          %and3A_66 = arith.andi %and3A, %lt3A_65 : vector<16xi1>
          %and3A_67 = arith.constant 2047 : i32
          %and3A_68 = vector.broadcast %and3A_67 : i32 to vector<16xi32>
          %and3A_69 = arith.andi %get3A_60, %and3A_68 : vector<16xi32>
          %add3A_70 = arith.constant 5120 : i32
          %add3A_71 = vector.broadcast %add3A_70 : i32 to vector<16xi32>
          %add3A_72 = arith.addi %add3A_71, %and3A_69 : vector<16xi32>
          %select_n3A = arith.select %and3A_66, %sub3A_61, %add3A_72 : vector<16xi1>, vector<16xi32>
          %swap3A = arith.index_cast %add3A_43 : i32 to index
          %swap3A_73 = arith.index_cast %add3A_53 : i32 to index
          %swap3A_74 = tpu.vector_load %arg11[%swap3A, %swap3A_73] {strides = array<i32>} : memref<32x128xi32, #tpu.memory_space<vmem>>, vector<1x16xi32>,
          %swap3A_75 = vector.shape_cast %swap3A_74 : vector<1x16xi32> to vector<16xi32>
          %swap3A_76 = vector.shape_cast %select_n3A : vector<16xi32> to vector<1x16xi32>
          tpu.vector_store %arg11[%swap3A, %swap3A_73], %swap3A_76 {strides = array<i32>} : memref<32x128xi32, #tpu.memory_space<vmem>>, vector<1x16xi32>,
        }
        %scan3A_48 = arith.constant 8 : i32
      }
      %scan3A_33 = arith.constant 32 : i32
      %scan3A_34 = arith.constant 0 : i32
      %scan3A_35 = arith.constant 16 : i32
      %scan3A_36 = arith.addi %scan3A_34, %scan3A_35 : i32
      %scan3A_37 = arith.constant 1 : i32
      scf.for %scan3A_39 = %scan3A_34 to %scan3A_36 step %scan3A_37  : i32 {
        %mul3A_40 = arith.constant 2 : i32
        %mul3A_41 = arith.muli %scan3A_39, %mul3A_40 : i32
        %add3A_42 = arith.constant 0 : i32
        %add3A_43 = arith.addi %add3A_42, %mul3A_41 : i32
        "tpu.region"() ({
          %run_scoped3A = tpu.sem_alloc : memref<!tpu.dma_semaphore, #tpu.memory_space<semaphore_mem>>
          %dma_start3A = arith.constant 0 : i32
          %dma_start3A_46 = tpu.memref_slice %arg11[%add3A_43, %dma_start3A] : memref<32x128xi32, #tpu.memory_space<vmem>> -> memref<1x128xi32, #tpu.memory_space<vmem>>
          %dma_start3A_47 = tpu.memref_squeeze %dma_start3A_46 : memref<1x128xi32, #tpu.memory_space<vmem>> -> memref<128xi32, #tpu.memory_space<vmem>>
          %dma_start3A_48 = arith.constant 0 : i32
          %dma_start3A_49 = arith.constant 0 : i32
          %dma_start3A_50 = tpu.memref_slice %arg16[%dma_start3A_48, %dma_start3A_49] : memref<7168x128xf32, #tpu.memory_space<vmem_shared>> -> memref<7168x128xf32, #tpu.memory_space<vmem_shared>>
          tpu.enqueue_indirect_dma source(%arg12 : memref<128x128xf32, #tpu.memory_space<vmem>>) target(%dma_start3A_50 : memref<7168x128xf32, #tpu.memory_space<vmem_shared>>) offsets(%dma_start3A_47 : memref<128xi32, #tpu.memory_space<vmem>>) semaphore(%run_scoped3A : memref<!tpu.dma_semaphore, #tpu.memory_space<semaphore_mem>>) {add = true}
          %dma_wait3A = arith.constant 0 : i32
          %dma_wait3A_51 = tpu.memref_slice %arg11[%add3A_43, %dma_wait3A] : memref<32x128xi32, #tpu.memory_space<vmem>> -> memref<1x128xi32, #tpu.memory_space<vmem>>
          %dma_wait3A_52 = tpu.memref_squeeze %dma_wait3A_51 : memref<1x128xi32, #tpu.memory_space<vmem>> -> memref<128xi32, #tpu.memory_space<vmem>>
          %dma_wait3A_53 = arith.constant 0 : i32
          %dma_wait3A_54 = arith.constant 0 : i32
          %dma_wait3A_55 = tpu.memref_slice %arg16[%dma_wait3A_53, %dma_wait3A_54] : memref<7168x128xf32, #tpu.memory_space<vmem_shared>> -> memref<7168x128xf32, #tpu.memory_space<vmem_shared>>
          tpu.wait_indirect_dma semaphore(%run_scoped3A : memref<!tpu.dma_semaphore, #tpu.memory_space<semaphore_mem>>) src(%arg12 : memref<128x128xf32, #tpu.memory_space<vmem>>) dst(%dma_wait3A_55 : memref<7168x128xf32, #tpu.memory_space<vmem_shared>>)
          tpu.yield
        }) : () -> ()
        %add3A_44 = arith.constant 1 : i32
        %add3A_45 = arith.addi %add3A_43, %add3A_44 : i32
        "tpu.region"() ({
          %run_scoped3A = tpu.sem_alloc : memref<!tpu.dma_semaphore, #tpu.memory_space<semaphore_mem>>
          %dma_start3A = arith.constant 0 : i32
          %dma_start3A_46 = tpu.memref_slice %arg11[%add3A_45, %dma_start3A] : memref<32x128xi32, #tpu.memory_space<vmem>> -> memref<1x128xi32, #tpu.memory_space<vmem>>
          %dma_start3A_47 = tpu.memref_squeeze %dma_start3A_46 : memref<1x128xi32, #tpu.memory_space<vmem>> -> memref<128xi32, #tpu.memory_space<vmem>>
          %dma_start3A_48 = arith.constant 0 : i32
          %dma_start3A_49 = arith.constant 0 : i32
          %dma_start3A_50 = tpu.memref_slice %arg16[%dma_start3A_48, %dma_start3A_49] : memref<7168x128xf32, #tpu.memory_space<vmem_shared>> -> memref<7168x128xf32, #tpu.memory_space<vmem_shared>>
          tpu.enqueue_indirect_dma source(%arg12 : memref<128x128xf32, #tpu.memory_space<vmem>>) target(%dma_start3A_50 : memref<7168x128xf32, #tpu.memory_space<vmem_shared>>) offsets(%dma_start3A_47 : memref<128xi32, #tpu.memory_space<vmem>>) semaphore(%run_scoped3A : memref<!tpu.dma_semaphore, #tpu.memory_space<semaphore_mem>>) {add = true}
          %dma_wait3A = arith.constant 0 : i32
          %dma_wait3A_51 = tpu.memref_slice %arg11[%add3A_45, %dma_wait3A] : memref<32x128xi32, #tpu.memory_space<vmem>> -> memref<1x128xi32, #tpu.memory_space<vmem>>
          %dma_wait3A_52 = tpu.memref_squeeze %dma_wait3A_51 : memref<1x128xi32, #tpu.memory_space<vmem>> -> memref<128xi32, #tpu.memory_space<vmem>>
          %dma_wait3A_53 = arith.constant 0 : i32
          %dma_wait3A_54 = arith.constant 0 : i32
          %dma_wait3A_55 = tpu.memref_slice %arg16[%dma_wait3A_53, %dma_wait3A_54] : memref<7168x128xf32, #tpu.memory_space<vmem_shared>> -> memref<7168x128xf32, #tpu.memory_space<vmem_shared>>
          tpu.wait_indirect_dma semaphore(%run_scoped3A : memref<!tpu.dma_semaphore, #tpu.memory_space<semaphore_mem>>) src(%arg12 : memref<128x128xf32, #tpu.memory_space<vmem>>) dst(%dma_wait3A_55 : memref<7168x128xf32, #tpu.memory_space<vmem_shared>>)
          tpu.yield
        }) : () -> ()
      }
      %scan3A_38 = arith.constant 16 : i32
    }
    %scan3A_16 = arith.constant 5 : i32
    %barrier3A_17 = arith.constant 0 : index
    tpu.barrier barrier_id(%barrier3A_17)
    %add3A_18 = arith.addi %mul3A_0, %mul3A_4 : i32
    "tpu.region"() ({
      %run_scoped3A = tpu.sem_alloc : memref<!tpu.dma_semaphore, #tpu.memory_space<semaphore_mem>>
      %dma_start3A = arith.constant 0 : i32
      %dma_start3A_19 = tpu.memref_slice %arg8[%add3A_18, %dma_start3A] : memref<10240x128xf32, #tpu.memory_space<hbm>> -> memref<320x128xf32, #tpu.memory_space<hbm>>
      %dma_start3A_20 = arith.constant 0 : i32
      %dma_start3A_21 = tpu.memref_slice %arg16[%mul3A_4, %dma_start3A_20] : memref<7168x128xf32, #tpu.memory_space<vmem_shared>> -> memref<320x128xf32, #tpu.memory_space<vmem_shared>>
      tpu.enqueue_dma source(%dma_start3A_21 : memref<320x128xf32, #tpu.memory_space<vmem_shared>>) target(%dma_start3A_19 : memref<320x128xf32, #tpu.memory_space<hbm>>) target_semaphore(%run_scoped3A : memref<!tpu.dma_semaphore, #tpu.memory_space<semaphore_mem>>)
      %dma_wait3A = arith.constant 0 : i32
      %dma_wait3A_22 = tpu.memref_slice %arg8[%add3A_18, %dma_wait3A] : memref<10240x128xf32, #tpu.memory_space<hbm>> -> memref<320x128xf32, #tpu.memory_space<hbm>>
      %dma_wait3A_23 = arith.constant 0 : i32
      %dma_wait3A_24 = tpu.memref_slice %arg16[%mul3A_4, %dma_wait3A_23] : memref<7168x128xf32, #tpu.memory_space<vmem_shared>> -> memref<320x128xf32, #tpu.memory_space<vmem_shared>>
      tpu.wait_dma2 semaphore(%run_scoped3A : memref<!tpu.dma_semaphore, #tpu.memory_space<semaphore_mem>>) src(%dma_wait3A_24 : memref<320x128xf32, #tpu.memory_space<vmem_shared>>) dst(%dma_wait3A_22 : memref<320x128xf32, #tpu.memory_space<hbm>>)
      tpu.yield
    }) : () -> ()
    return
  }
}

module attributes {stable_mosaic.version = 14 : i64} {
  func.func @_mlp_body(%arg0: i32, %arg1: memref<1000x128xf32, #tpu.memory_space<vmem>>, %arg2: memref<1000x128xf32, #tpu.memory_space<vmem>>, %arg3: memref<1000x128xf32, #tpu.memory_space<vmem>>, %arg4: memref<128x256xf32, #tpu.memory_space<vmem>>, %arg5: memref<1x256xf32, #tpu.memory_space<vmem>>, %arg6: memref<256x128xf32, #tpu.memory_space<vmem>>, %arg7: memref<1x128xf32, #tpu.memory_space<vmem>>, %arg8: memref<1000x128xf32, #tpu.memory_space<vmem>>) attributes {dimension_semantics = [#tpu.dimension_semantics<arbitrary>], iteration_bounds = array<i64: 10>, scalar_prefetch = 0 : i64, scratch_operands = 0 : i64, tpu.core_type = #tpu.core_type<tc>, window_params = [{transform_indices = @transform_0, window_bounds = array<i64: 1000, 128>}, {transform_indices = @transform_1, window_bounds = array<i64: 1000, 128>}, {transform_indices = @transform_2, window_bounds = array<i64: 1000, 128>}, {pipeline_mode = #tpu.pipeline_mode<synchronous>, transform_indices = @transform_3, window_bounds = array<i64: 128, 256>}, {pipeline_mode = #tpu.pipeline_mode<synchronous>, transform_indices = @transform_4, window_bounds = array<i64: 1, 256>}, {pipeline_mode = #tpu.pipeline_mode<synchronous>, transform_indices = @transform_5, window_bounds = array<i64: 256, 128>}, {pipeline_mode = #tpu.pipeline_mode<synchronous>, transform_indices = @transform_6, window_bounds = array<i64: 1, 128>}, {transform_indices = @transform_7, window_bounds = array<i64: 1000, 128>}]} {
    %get3A = arith.constant 0 : index
    %get3A_0 = arith.constant 0 : index
    %get3A_1 = vector.load %arg3[%get3A, %get3A_0] : memref<1000x128xf32, #tpu.memory_space<vmem>>, vector<1000x128xf32>
    %slice3A = vector.extract_strided_slice %get3A_1 {offsets = [0, 0], sizes = [1000, 1], strides = [1, 1]} : vector<1000x128xf32> to vector<1000x1xf32>
    %get3A_2 = arith.constant 0 : index
    %get3A_3 = arith.constant 0 : index
    %get3A_4 = vector.load %arg1[%get3A_2, %get3A_3] : memref<1000x128xf32, #tpu.memory_space<vmem>>, vector<1000x128xf32>
    %get3A_5 = arith.constant 0 : index
    %get3A_6 = arith.constant 0 : index
    %get3A_7 = vector.load %arg2[%get3A_5, %get3A_6] : memref<1000x128xf32, #tpu.memory_space<vmem>>, vector<1000x128xf32>
    %max3A = arith.constant 1.000000e+00 : f32
    %max3A_8 = vector.broadcast %max3A : f32 to vector<1000x1xf32>
    %max3A_9 = arith.maximumf %slice3A, %max3A_8 : vector<1000x1xf32>
    %div3A = vector.broadcast %max3A_9 : vector<1000x1xf32> to vector<1000x128xf32>
    %div3A_10 = arith.divf %get3A_7, %div3A : vector<1000x128xf32>
    %add3A = arith.addf %get3A_4, %div3A_10 : vector<1000x128xf32>
    %get3A_11 = arith.constant 0 : index
    %get3A_12 = arith.constant 0 : index
    %get3A_13 = vector.load %arg4[%get3A_11, %get3A_12] : memref<128x256xf32, #tpu.memory_space<vmem>>, vector<128x256xf32>
    %dot_general3A = arith.constant dense<0.000000e+00> : vector<1000x256xf32>
    %dot_general3A_14 = tpu.matmul %add3A, %get3A_13, %dot_general3A {dimension_numbers = #tpu.dot_dimension_numbers<[1], [0], [0], [1], [0, 0, 1, 1], [], []>, precision = #tpu.contract_precision<fp32>, transpose_lhs_hint = false} : vector<1000x128xf32>, vector<128x256xf32>, vector<1000x256xf32> -> vector<1000x256xf32>
    %get3A_15 = arith.constant 0 : index
    %get3A_16 = arith.constant 0 : index
    %get3A_17 = vector.load %arg5[%get3A_15, %get3A_16] : memref<1x256xf32, #tpu.memory_space<vmem>>, vector<1x256xf32>
    %add3A_18 = vector.broadcast %get3A_17 : vector<1x256xf32> to vector<1000x256xf32>
    %add3A_19 = arith.addf %dot_general3A_14, %add3A_18 : vector<1000x256xf32>
    %max3A_20 = arith.constant 0.000000e+00 : f32
    %max3A_21 = vector.broadcast %max3A_20 : f32 to vector<1000x256xf32>
    %max3A_22 = arith.maximumf %add3A_19, %max3A_21 : vector<1000x256xf32>
    %get3A_23 = arith.constant 0 : index
    %get3A_24 = arith.constant 0 : index
    %get3A_25 = vector.load %arg6[%get3A_23, %get3A_24] : memref<256x128xf32, #tpu.memory_space<vmem>>, vector<256x128xf32>
    %dot_general3A_26 = arith.constant dense<0.000000e+00> : vector<1000x128xf32>
    %dot_general3A_27 = tpu.matmul %max3A_22, %get3A_25, %dot_general3A_26 {dimension_numbers = #tpu.dot_dimension_numbers<[1], [0], [0], [1], [0, 0, 1, 1], [], []>, precision = #tpu.contract_precision<fp32>, transpose_lhs_hint = false} : vector<1000x256xf32>, vector<256x128xf32>, vector<1000x128xf32> -> vector<1000x128xf32>
    %get3A_28 = arith.constant 0 : index
    %get3A_29 = arith.constant 0 : index
    %get3A_30 = vector.load %arg7[%get3A_28, %get3A_29] : memref<1x128xf32, #tpu.memory_space<vmem>>, vector<1x128xf32>
    %add3A_31 = vector.broadcast %get3A_30 : vector<1x128xf32> to vector<1000x128xf32>
    %add3A_32 = arith.addf %dot_general3A_27, %add3A_31 : vector<1000x128xf32>
    %swap3A = arith.constant 0 : index
    %swap3A_33 = arith.constant 0 : index
    %swap3A_34 = vector.load %arg8[%swap3A, %swap3A_33] : memref<1000x128xf32, #tpu.memory_space<vmem>>, vector<1000x128xf32>
    tpu.vector_store %arg8[%swap3A, %swap3A_33], %add3A_32 {strides = array<i32>} : memref<1000x128xf32, #tpu.memory_space<vmem>>, vector<1000x128xf32>,
    return
  }
  func.func @transform_0(%arg0: i32) -> (i32, i32) {
    %c0_i32 = arith.constant 0 : i32
    %c0_i32_0 = arith.constant 0 : i32
    return %arg0, %c0_i32 : i32, i32
  }
  func.func @transform_1(%arg0: i32) -> (i32, i32) {
    %c0_i32 = arith.constant 0 : i32
    %c0_i32_0 = arith.constant 0 : i32
    return %arg0, %c0_i32 : i32, i32
  }
  func.func @transform_2(%arg0: i32) -> (i32, i32) {
    %c0_i32 = arith.constant 0 : i32
    %c0_i32_0 = arith.constant 0 : i32
    return %arg0, %c0_i32 : i32, i32
  }
  func.func @transform_3(%arg0: i32) -> (i32, i32) {
    %c0_i32 = arith.constant 0 : i32
    %c0_i32_0 = arith.constant 0 : i32
    %c0_i32_1 = arith.constant 0 : i32
    return %c0_i32, %c0_i32_0 : i32, i32
  }
  func.func @transform_4(%arg0: i32) -> (i32, i32) {
    %c0_i32 = arith.constant 0 : i32
    %c0_i32_0 = arith.constant 0 : i32
    %c0_i32_1 = arith.constant 0 : i32
    return %c0_i32, %c0_i32_0 : i32, i32
  }
  func.func @transform_5(%arg0: i32) -> (i32, i32) {
    %c0_i32 = arith.constant 0 : i32
    %c0_i32_0 = arith.constant 0 : i32
    %c0_i32_1 = arith.constant 0 : i32
    return %c0_i32, %c0_i32_0 : i32, i32
  }
  func.func @transform_6(%arg0: i32) -> (i32, i32) {
    %c0_i32 = arith.constant 0 : i32
    %c0_i32_0 = arith.constant 0 : i32
    %c0_i32_1 = arith.constant 0 : i32
    return %c0_i32, %c0_i32_0 : i32, i32
  }
  func.func @transform_7(%arg0: i32) -> (i32, i32) {
    %c0_i32 = arith.constant 0 : i32
    %c0_i32_0 = arith.constant 0 : i32
    return %arg0, %c0_i32 : i32, i32
  }
}

</mosaic_0001>

<sc_bundles>
// kernel: kernel.4.cloned.1.call-start
scs
__scs_entry_jumppad:
0x0: {  	(pc) =	sbr.rel $0x88, $3  }
0x1: {  	(tag) =	ssettag $0x0;
	lr =	simm.s32 $0x1  }
0x2: {  	[smem:$0x3F9B] =	sst lr;
	_ =	strace $0xD0000000  }
0x3: {  	_ = 	snop  }
0x4: {  	_ = 	snop  }
0x5: {  	_ = 	snop  }
0x6: {  	_ = 	snop  }
0x7: {  	_ = 	snop  }
__scs_overlays_trampoline_lowered:
0x8: {  	[smem:$0x3FAA] =	sst s0  }
0x9: {  	[smem:$0x3FAB] =	sst s1  }
0xa: {  	[smem:$0x3FAC] =	sst s2  }
0xb: {  	[smem:$0x3FAD] =	sst s3  }
0xc: {  	[smem:$0x3FAE] =	sst s4  }
0xd: {  	[smem:$0x3FAF] =	sst s5  }
0xe: {  	[smem:$0x3FB0] =	sst s6  }
0xf: {  	[smem:$0x3FB1] =	sst s7  }
0x10: {  	[smem:$0x3FB2] =	sst s8  }
0x11: {  	[smem:$0x3FB3] =	sst s9;
	s0 =	simm.s32 @!p0 $0x0  }
0x12: {  	s1 =	sld [smem:$0x3F99];
	s0 =	simm.s32 @p0 $0x1  }
0x13: {  	[smem:$0x3FB4] =	sst s0;
	s0 =	simm.s32 @!p1 $0x0  }
0x14: {  	s2 =	sld [smem:$0x3F98];
	s0 =	simm.s32 @p1 $0x1  }
0x15: {  	[smem:$0x3FB5] =	sst s0;
	s0 =	simm.s32 @!p2 $0x0  }
0x16: {  	s3 =	sld [smem:$0x3FDB];
	s0 =	simm.s32 @p2 $0x1  }
0x17: {  	s4 =	simm.s32 $0x1BF5;
	[smem:$0x3FB7] =	sst s0  }
0x18: {  	s0 =	sld [smem:$0x3F9A];
	_ =	swait.ge [sflag:s4], $0x0  }
0x19: {  	s7 =	sld [smem:$0x3F9B]  }
0x1a: {  	s8 =	sadd.s32 $0xFFFFE003, lr  }
0x1b: {  	s9 =	sadd.s32 $0xFFFFFEF7, lr;
	s5 =	simm.s32 $0xFFFFFFFF;
	p2 =	slt.u32 s8, $0xFFFFF086  }
0x1c: {  	p1 =	slt.u32 s9, $0xF7A;
	s5 =	simm.s32 @!p2 $0x0  }
0x1d: {  	s5 =	simm.s32 @p1 $0x1;
	p0 =	seq.s32 s7, s2  }
0x1e: {  	s7 =	smul.u32 @!p0 $0xF7A, s2;
	p2 =	seq.s32 @!p0 s5, $0x0  }
0x1f: {  	s9 =	smul.u32 $0xF7A, s1;
	s8 =	simm.s32 @!p0 $0x1BF5;
	p2 =	por !p2, p0  }
0x20: {  	[sflag:s8] =	ssyncset.s32 @!p0 $0xFFFFF086;
	s6 =	sadd.s32 @!p0 s3, s7;
	s7 =	simm.s32 @!p0 $0x108  }
0x21: {  	s3 =	sadd.s32 s3, s9;
	s6 =	sadd.s32 @!p0 $0x88, s6;
	s7 =	simm.s32 @p2 $0x1082  }
0x22: {  	[simem:s7], [sflag:s8] =	dma.local @!p0 [hbm:s6], $0xF7A  }
0x23: {  	s9 =	sor.u32 $0xD0000000, s2;
	s6 =	simm.s32 $0x108;
	_ =	swait.ge @!p0 [sflag:s8], $0x0  }
0x24: {  	s3 =	sadd.s32 $0x88, s3;
	s6 =	simm.s32 @!p1 $0x1082;
	[sflag:s4] =	ssyncset.s32 $0xFFFFF086  }
0x25: {  	[simem:s6], [sflag:s4] =	dma.local [hbm:s3], $0xF7A  }
0x26: {  	[smem:$0x3F9B] =	sst s1;
	(tag) =	ssettag s2;
	_ =	strace s9  }
0x27: {  	s1 =	sld [smem:$0x3FAB]  }
0x28: {  	s2 =	sld [smem:$0x3FAC]  }
0x29: {  	s4 =	sld [smem:$0x3FAE]  }
0x2a: {  	p0 =	seq.s32 s5, $0x0;
	s5 =	sld [smem:$0x3FAF]  }
0x2b: {  	s6 =	sld [smem:$0x3FB0]  }
0x2c: {  	s7 =	sld [smem:$0x3FB1]  }
0x2d: {  	s3 =	simm.s32 $0x108;
	s8 =	sld [smem:$0x3FB2]  }
0x2e: {  	s3 =	simm.s32 @!p0 $0x1082;
	s9 =	sld [smem:$0x3FB3]  }
0x2f: {  	lr =	sadd.s32 s0, s3;
	s0 =	sld [smem:$0x3FAA]  }
0x30: {  	s3 =	sld [smem:$0x3FAD]  }
0x31: {  	[smem:$0x3FB6] =	sst s10  }
0x32: {  	s10 =	sld [smem:$0x3FB4];
	_ =	sdelay $0x3  }
0x33: {  	p0 =	seq.s32 s10, $0x1;
	s10 =	sld [smem:$0x3FB6];
	_ =	sdelay $0x3  }
0x34: {  	[smem:$0x3FB6] =	sst s10  }
0x35: {  	s10 =	sld [smem:$0x3FB5];
	_ =	sdelay $0x3  }
0x36: {  	p1 =	seq.s32 s10, $0x1;
	s10 =	sld [smem:$0x3FB6];
	_ =	sdelay $0x3  }
0x37: {  	[smem:$0x3FB6] =	sst s10  }
0x38: {  	s10 =	sld [smem:$0x3FB7]  }
0x39: {  	_ = 	snop;
	(pc) =	sbr.ind lr, $3  }
0x3a: {  	_ = 	snop  }
0x3b: {  	_ = 	snop  }
0x3c: {  	p2 =	seq.s32 s10, $0x1;
	s10 =	sld [smem:$0x3FB6]  }
0x3d: {  	_ =	shalt  }
0x3e: {  	_ =	shalt  }
0x3f: {  	_ =	shalt  }
0x40: {  	_ =	shalt  }
0x41: {  	_ =	shalt  }
0x42: {  	_ =	shalt  }
0x43: {  	_ =	shalt  }
0x44: {  	_ =	shalt  }
0x45: {  	_ =	shalt  }
0x46: {  	_ =	shalt  }
0x47: {  	_ =	shalt  }
0x48: {  	_ =	shalt  }
0x49: {  	_ =	shalt  }
0x4a: {  	_ =	shalt  }
0x4b: {  	_ =	shalt  }
0x4c: {  	_ =	shalt  }
0x4d: {  	_ =	shalt  }
0x4e: {  	_ =	shalt  }
0x4f: {  	_ =	shalt  }
0x50: {  	_ =	shalt  }
0x51: {  	_ =	shalt  }
0x52: {  	_ =	shalt  }
0x53: {  	_ =	shalt  }
0x54: {  	_ =	shalt  }
0x55: {  	_ =	shalt  }
0x56: {  	_ =	shalt  }
0x57: {  	_ =	shalt  }
0x58: {  	_ =	shalt  }
0x59: {  	_ =	shalt  }
0x5a: {  	_ =	shalt  }
0x5b: {  	_ =	shalt  }
0x5c: {  	_ =	shalt  }
0x5d: {  	_ =	shalt  }
0x5e: {  	_ =	shalt  }
0x5f: {  	_ =	shalt  }
0x60: {  	_ =	shalt  }
0x61: {  	_ =	shalt  }
0x62: {  	_ =	shalt  }
0x63: {  	_ =	shalt  }
0x64: {  	_ =	shalt  }
0x65: {  	_ =	shalt  }
0x66: {  	_ =	shalt  }
0x67: {  	_ =	shalt  }
0x68: {  	_ =	shalt  }
0x69: {  	_ =	shalt  }
0x6a: {  	_ =	shalt  }
0x6b: {  	_ =	shalt  }
0x6c: {  	_ =	shalt  }
0x6d: {  	_ =	shalt  }
0x6e: {  	_ =	shalt  }
0x6f: {  	_ =	shalt  }
0x70: {  	_ =	shalt  }
0x71: {  	_ =	shalt  }
0x72: {  	_ =	shalt  }
0x73: {  	_ =	shalt  }
0x74: {  	_ =	shalt  }
0x75: {  	_ =	shalt  }
0x76: {  	_ =	shalt  }
0x77: {  	_ =	shalt  }
0x78: {  	_ =	shalt  }
0x79: {  	_ =	shalt  }
0x7a: {  	_ =	shalt  }
0x7b: {  	_ =	shalt  }
0x7c: {  	_ =	shalt  }
0x7d: {  	_ =	shalt  }
0x7e: {  	_ =	shalt  }
0x7f: {  	_ =	shalt  }
0x80: {  	_ =	shalt  }
0x81: {  	_ =	shalt  }
0x82: {  	_ =	shalt  }
0x83: {  	_ =	shalt  }
0x84: {  	_ =	shalt  }
0x85: {  	_ =	shalt  }
0x86: {  	_ =	shalt  }
0x87: {  	_ =	shalt  }
.Lfunc_end0:
.L_simem_size_0:
called_computation_lowered:
.L_overlay_start_0:
0x88: {  	s2 =	sld [smem:$0x3FD9]  }
0x89: {  	s3 =	sld [smem:$0x3FFE];
	_ =	sdelay $0x1  }
0x8a: {  	s1 =	srdreg.scid  }
0x8b: {  	s0 =	sand.u32 $0x1, s1  }
0x8c: {  	s17 =	sshll.u32 s0, $0xA;
	s2 =	sadd.s32 s3, s2  }
0x8d: {  	s2 =	sadd.s32 s2, s17  }
0x8e: {  	[smem:$0x3FC2] =	sst s2  }
0x8f: {  	_ = 	snop  }
0x90: {  	s2 =	sld [smem:$0x3FC9]  }
0x91: {  	s18 =	sld [smem:$0x3FD0];
	(tm) =	ssettm $0x1  }
0x92: {  	s4 =	sld [smem:$0x3FFB];
	_ =	sdelay $0x3  }
0x93: {  	_ =	strace s4  }
0x94: {  	s4 =	sld [smem:$0x3FFC];
	_ =	sdelay $0x3  }
0x95: {  	_ =	strace s4  }
0x96: {  	s4 =	sld [smem:$0x3FFD];
	_ =	sdelay $0x3  }
0x97: {  	_ =	strace s4  }
0x98: {  	_ =	strace $0x8FFFFFFF  }
0x99: {  	s19 =	sld [smem:$0x3FDB];
	_ =	sdelay $0x1  }
0x9a: {  	s5 =	simm.s32 $_scs_section_size  }
0x9b: {  	s6 =	simm.s32 $_size__tile_overlayer_lowered;
	s7 =	simm.s32 $_tile_overlayer_lowered  }
0x9c: {  	s22 =	simm.s32 $0x1BFF;
	s21 =	sshll.u32 s7, $0x1;
	s4 =	sadd.s32 s5, s19  }
0x9d: {  	s8 =	simm.s32 $0x0;
	s20 =	sshll.u32 s6, $0x1;
	s6 =	sadd.s32 s21, s4  }
0x9e: {  	[timem:s8], [sflag:s22] =	dma.local [hbm:s6], s20  }
0x9f: {  	_ =	swait.ge [sflag:s22], s20  }
0xa0: {  	s5 =	ssub.s32 $0x0, s20;
	[sflag:s22] =	ssyncset.done $0x0  }
0xa1: {  	[sflag:s22] =	ssyncadd.s32 s5;
	_ =	sdelay $0x1  }
0xa2: {  	s23 =	simm.s32 $0x1B8B  }
0xa3: {  	_ =	swait.ge [sflag:s23], $0x1  }
0xa4: {  	[sflag:s23] =	ssyncset.done $0x0  }
0xa5: {  	s25 =	simm.s32 $0x1B8E;
	s24 =	sld [smem:$0x3FFE];
	[sflag:s23] =	ssyncadd.s32 $0xFFFFFFFF  }
0xa6: {  	s26 =	simm.s32 $execute0_lowered;
	[smem:$0x3FD2] =	sst s25  }
0xa7: {  	s6 =	sshll.u32 s26, $0x1;
	_ =	strace $0x80000046;
	[dreg:$0x1] =	wrdreg $0xFFFFFFFF  }
0xa8: {  	s28 =	simm.s32 $_size_execute0_lowered;
	s4 =	sadd.s32 s4, s6;
	[dreg:$0x0] =	wrdreg $0x0  }
0xa9: {  	s6 =	sshll.u32 s28, $0x1;
	[dreg:$0x2] =	wrdreg s4  }
0xaa: {  	[dreg:$0x3] =	wrdreg s6  }
0xab: {  	[dreg:$0x4] =	wrdreg $0xC0  }
0xac: {  	_ =	task [dreg:s8], $0x5FFFF  }
0xad: {  	[dreg:$0x1] =	wrdreg $0xFFFFFFFF  }
0xae: {  	[dreg:$0x0] =	wrdreg $0x60  }
0xaf: {  	[dreg:$0x2] =	wrdreg s2  }
0xb0: {  	[dreg:$0x3] =	wrdreg s24  }
0xb1: {  	[dreg:$0x4] =	wrdreg s18  }
0xb2: {  	[dreg:$0x5] =	wrdreg $0xB0000  }
0xb3: {  	[dreg:$0x6] =	wrdreg $0x9  }
0xb4: {  	_ =	task.clear_ibuf [dreg:s8], $0x7FFFF;
	_ =	strace $0x90000046  }
0xb5: {  	s29 =	simm.s32 $0x9;
	_ =	strace $0x80000048  }
0xb6: {  	_ =	swait.ge [sflag:s29], $0x1  }
0xb7: {  	[sflag:s29] =	ssyncadd.s32 $0xFFFFFFFF  }
0xb8: {  	_ =	strace $0x90000048  }
0xb9: {  	_ =	sfence  }
0xba: {  	s30 =	sld [smem:$0x0];
	_ =	sdelay $0x2  }
0xbb: {  	s31 =	sshll.u32 s1, $0xD;
	s1 =	sshrl.u32 s1, $0x2  }
0xbc: {  	s3 =	sand.u32 $0x4000, s31;
	s1 =	sadd.s32 s1, s30  }
0xbd: {  	s0 =	sor.u32 s3, s0;
	s1 =	sshll.u32 s1, $0x11  }
0xbe: {  	s0 =	sor.u32 s1, s0  }
0xbf: {  	s0 =	sadd.s32 $0x8F2B, s0  }
0xc0: {  	[sflag:s0] =	ssyncadd.remote.s32 $0x1  }
0xc1: {  	_ =	sfence.sel $0xFFFF  }
0xc2: {  	[dreg:$0x0] =	wrdreg $0xFFFFFFFF;
	(pc) =	sbr.abs _section_cstart, $3  }
0xc3: {  	[dreg:$0x1] =	wrdreg $0xFFFFFFFF  }
0xc4: {  	_ =	task.clear_ibuf [dreg:s8], $0x2FFFF;
	_ =	strace $0x9FFFFFFF  }
0xc5: {  	(tm) =	ssettm $0x7FFFFFFF  }
tec
execute0_lowered:
.L_overlay_start_1:
0x0: {  	(tag) =	ssettag $0x1  }
0x1: {  	s1 =	rddreg [dreg:$0x0]  }
0x2: {  	s8 =	rddreg [dreg:$0x1]  }
0x3: {  	s9 =	rddreg [dreg:$0x2]  }
0x4: {  	s2 =	rddreg [dreg:$0x3];
	s3 =	srdreg.scid  }
0x5: {  	s0 =	rddreg [dreg:$0x4];
	s4 =	simm.s32 $0x0;
	s16 =	simm.s32 $0x3  }
0x6: {  	s17 =	simm.s32 $0x1000;
	s18 =	simm.s32 $0x80;
	s10 =	sand.u32 $0x1, s3  }
0x7: {  	s19 =	simm.s32 $0x3000;
	s3 =	stileid.u32;
	s20 =	smul.u32 $0x1400, s10  }
0x8: {  	s21 =	simm.s32 $0x1;
	s22 =	simm.s32 $0x2;
	s11 =	smul.u32 $0x140, s3  }
0x9: {  	[smem:$0x7FF] =	sst s4;
	s5 =	sadd.s32 $0xB400, s8;
	s12 =	smul.u32 $0x38000, s3  }
0xa: {  	s6 =	sadd.s32 $0x1400, s8;
	s7 =	sadd.s32 $0x15400, s8;
	s26 =	smul.u32 $0x1C00, s3  }
0xb: {  	_ =	strace $0x80000047;
	s10 =	ssub.s32 $0x2, s10;
	s29 =	smul.u32 $0x28000, s3  }
0xc: {  	s30 =	sshll.u32 s3, $0x6;
	s25 =	sshrl.u32 s10, $0x1;
	s11 =	sadd.s32 s11, s20  }
0xd: {  	s14 =	ssub.s32 s10, s25;
	s28 =	sshrl.u32 s12, $0x2;
	s10 =	smul.u32 $0x5000, s3  }
0xe: {  	s31 =	sshrl.u32 s29, $0x2;
	v0 =	vmov s20;
	s20 =	simm.s32 $0x7000;
	s11 =	sshll.u32 s11, $0x4  }
0xf: {  	s15 =	sadd.s32 s28, s2;
	s14 =	smax.u32 s14, $0x1;
	s13 =	sadd.s32 s11, s8  }
0x10: {  	s8 =	sadd.s32 s9, s26;
	s9 =	sor.u32 $0x1C03, s30;
	s11 =	sadd.s32 s31, s2  }
0x11: {  	s15 =	sshrl.u32 s15, $0x3;
	s12 =	sadd.s32 $0x15C00, s13;
	s13 =	sadd.s32 $0x3DC00, s13  }
.LBB2_1:
0x12: {  	[spmem:s15], [sflag:s9] =	dma.local [hbm:s8], $0x1C00  }
0x13: {  	_ =	swait.ge [sflag:s16], $0x1C00  }
0x14: {  	[sflag:s16] =	ssyncset.done $0x0  }
0x15: {  	[sflag:s16] =	ssyncadd.s32 $0xFFFFE400  }
0x16: {  	s23 =	simm.s32 $0x0;
	[bflag:$0x0] =	sbarrier.arrive $0xFFFF  }
.LBB2_2:
0x17: {  	s24 =	sshll.u32 s23, $0xC  }
0x18: {  	s24 =	sadd.s32 s10, s24  }
0x19: {  	s24 =	sshrl.u32 s24, $0x3  }
0x1a: {  	s26 =	simm.s32 $0x0;
	s25 =	sadd.s32 s5, s24  }
0x1b: {  	[tilespmem:s26], [sflag:$0x3] =	stream.linear.gather [hbm4b:s25+s26], $0x1000, $0x38;
	[tilespmem:$0x19000] =	vst v63  }
0x1c: {  	_ =	swait.ge [sflag:s16], $0x1000  }
0x1d: {  	[sflag:s16] =	ssyncset.done $0x0  }
0x1e: {  	s24 =	sadd.s32 s6, s24;
	[sflag:s16] =	ssyncadd.s32 $0xFFFFF000  }
0x1f: {  	[tilespmem:s17], [sflag:$0x3] =	stream.linear.gather [hbm4b:s24+s26], $0x1000, $0x38;
	[tilespmem:$0x19000] =	vst v63  }
0x20: {  	_ =	swait.ge [sflag:s16], $0x1000  }
0x21: {  	[sflag:s16] =	ssyncset.done $0x0  }
0x22: {  	s24 =	simm.s32 $0x0;
	[sflag:s16] =	ssyncadd.s32 $0xFFFFF000  }
0x23: {  	v1 =	vld [tilespmem:s24+$0x70]  }
0x24: {  	v2 =	vld [tilespmem:s24+$0x1070]  }
0x25: {  	v10 =	vld [tilespmem:s24+$0x0]  }
0x26: {  	v11 =	vld [tilespmem:s24+$0x10]  }
0x27: {  	v12 =	vld [tilespmem:s24+$0x20]  }
0x28: {  	v13 =	vld [tilespmem:s24+$0x30]  }
0x29: {  	v5 =	vld [tilespmem:s24+$0x50]  }
0x2a: {  	v14 =	vld [tilespmem:s24+$0x1000];
	_ =	sdelay $0x1  }
0x2b: {  	v17 =	vld [tilespmem:s24+$0x40];
	v3 =	vsub.s32 v1, v0;
	vm0 =	vne.s32 v1, v2  }
0x2c: {  	v15 =	vld [tilespmem:s24+$0x1010];
	v1 =	vand.u32 $0x7FF, v2;
	v8 =	vsub.s32 v10, v0;
	v7 =	vsub.s32 v11, v0  }
0x2d: {  	v16 =	vld [tilespmem:s24+$0x1020];
	v9 =	vsub.s32 v12, v0;
	v4 =	vsub.s32 v13, v0;
	v2 =	vsub.s32 v5, v0  }
0x2e: {  	v6 =	vld [tilespmem:s24+$0x60];
	vm6 =	vne.s32 v10, v14;
	v14 =	vand.u32 $0x7FF, v14;
	vm1 =	vlt.u32 v3, $0x1400  }
0x2f: {  	v18 =	vld [tilespmem:s24+$0x1030];
	v1 =	vadd.s32 $0x1400, v1;
	vm4 =	vlt.u32 v7, $0x1400;
	vm0 =	vmand vm0, vm1  }
0x30: {  	vm5 =	vlt.u32 v9, $0x1400;
	v1 =	vsel vm0, v3, v1;
	vm0 =	vlt.u32 v8, $0x1400  }
0x31: {  	v19 =	vld [tilespmem:s24+$0x1040];
	vm7 =	vlt.u32 v4, $0x1400;
	vm6 =	vmand vm6, vm0;
	vm0 =	vne.s32 v11, v15  }
0x32: {  	v3 =	vsub.s32 v17, v0;
	vm4 =	vmand vm0, vm4;
	vm0 =	vne.s32 v12, v16;
	v12 =	vld [tilespmem:s24+$0x1050]  }
0x33: {  	v10 =	vld [tilespmem:s24+$0x1060];
	vm1 =	vlt.u32 v2, $0x1400;
	[tilespmem:s24+$0x2070] =	vst v1;
	vm3 =	vlt.u32 v3, $0x1400;
	v1 =	vsub.s32 v6, v0  }
0x34: {  	v15 =	vand.u32 $0x7FF, v15;
	v11 =	vand.u32 $0x7FF, v18;
	vm2 =	vlt.u32 v1, $0x1400  }
0x35: {  	v16 =	vand.u32 $0x7FF, v16;
	vm5 =	vmand vm0, vm5;
	vm0 =	vne.s32 v13, v18  }
0x36: {  	s25 =	simm.s32 $0x80;
	s26 =	simm.s32 $0x400;
	v13 =	vand.u32 $0x7FF, v19;
	vm0 =	vmand vm0, vm7;
	vm7 =	vne.s32 v17, v19  }
.LBB2_3:
0x37: {  	p0 =	sne.s32 s26, $0x3E00;
	v17 =	vld [tilespmem:s25+$0x70];
	vm3 =	vmand vm7, vm3;
	vm7 =	vne.s32 v5, v12;
	v5 =	vand.u32 $0x7FF, v12  }
0x38: {  	v12 =	vld [tilespmem:s25+$0x1070];
	vm1 =	vmand vm7, vm1;
	vm7 =	vne.s32 v6, v10;
	v6 =	vand.u32 $0x7FF, v10  }
0x39: {  	v14 =	vadd.s32 $0x1400, v14;
	v15 =	vadd.s32 $0x1400, v15;
	v10 =	vld [tilespmem:s25+$0x0];
	vm2 =	vmand vm7, vm2  }
0x3a: {  	v16 =	vadd.s32 $0x1400, v16;
	v11 =	vadd.s32 $0x1400, v11;
	v13 =	vadd.s32 $0x1400, v13;
	v18 =	vld [tilespmem:s25+$0x10]  }
0x3b: {  	v8 =	vsel vm6, v8, v14;
	v14 =	vadd.s32 $0x1400, v5;
	v20 =	vadd.s32 $0x1400, v6;
	v19 =	vld [tilespmem:s25+$0x20]  }
0x3c: {  	v5 =	vsel vm4, v7, v15;
	v6 =	vsel vm5, v9, v16;
	v21 =	vld [tilespmem:s25+$0x30];
	v22 =	vsub.s32 v17, v0;
	[tilespmem:s24+$0x2000] =	vst v8  }
0x3d: {  	v23 =	vld [tilespmem:s25+$0x40];
	vm4 =	vne.s32 v17, v12;
	vm5 =	vlt.u32 v22, $0x1400;
	v7 =	vand.u32 $0x7FF, v12;
	[tilespmem:s24+$0x2010] =	vst v5  }
0x3e: {  	v8 =	vsub.s32 v10, v0;
	v5 =	vld [tilespmem:s25+$0x50];
	vm5 =	vmand vm4, vm5;
	v9 =	vadd.s32 $0x1400, v7;
	[tilespmem:s24+$0x2020] =	vst v6  }
0x3f: {  	vm4 =	vlt.u32 v8, $0x1400;
	v7 =	vsub.s32 v18, v0;
	v6 =	vld [tilespmem:s25+$0x60];
	v12 =	vsel vm5, v22, v9  }
0x40: {  	v11 =	vsel vm0, v4, v11;
	v15 =	vld [tilespmem:s25+$0x1000];
	vm5 =	vlt.u32 v7, $0x1400;
	v9 =	vsub.s32 v19, v0;
	[tilespmem:s25+$0x2070] =	vst v12  }
0x41: {  	v16 =	vld [tilespmem:s25+$0x1010];
	vm0 =	vlt.u32 v9, $0x1400;
	v4 =	vsub.s32 v21, v0;
	[tilespmem:s24+$0x2030] =	vst v11;
	v11 =	vsel vm3, v3, v13  }
0x42: {  	v13 =	vld [tilespmem:s25+$0x1020];
	vm7 =	vlt.u32 v4, $0x1400;
	v3 =	vsub.s32 v23, v0;
	[tilespmem:s24+$0x2040] =	vst v11;
	v11 =	vsel vm1, v2, v14  }
0x43: {  	v17 =	vld [tilespmem:s25+$0x1030];
	vm3 =	vlt.u32 v3, $0x1400;
	v2 =	vsub.s32 v5, v0;
	[tilespmem:s24+$0x2050] =	vst v11;
	v11 =	vsel vm2, v1, v20  }
0x44: {  	v20 =	vld [tilespmem:s25+$0x1040];
	vm1 =	vlt.u32 v2, $0x1400;
	v1 =	vsub.s32 v6, v0;
	[tilespmem:s24+$0x2060] =	vst v11;
	s24 =	smov.u32 s25  }
.Ltmp0:
0x45: {  	vm6 =	vne.s32 v10, v15;
	v14 =	vand.u32 $0x7FF, v15;
	v12 =	vld [tilespmem:s24+$0x1050];
	vm2 =	vlt.u32 v1, $0x1400;
	(pc) =	sbr.rel @p0 .LBB2_3-.Ltmp0, $4  }
0x46: {  	vm6 =	vmand vm6, vm4;
	vm4 =	vne.s32 v18, v16;
	v15 =	vand.u32 $0x7FF, v16;
	v10 =	vld [tilespmem:s24+$0x1060]  }
0x47: {  	vm4 =	vmand vm4, vm5;
	vm5 =	vne.s32 v19, v13;
	v16 =	vand.u32 $0x7FF, v13  }
0x48: {  	vm5 =	vmand vm5, vm0;
	vm0 =	vne.s32 v21, v17;
	v11 =	vand.u32 $0x7FF, v17  }
0x49: {  	s25 =	sshra.s32 s26, $0x2;
	s26 =	sadd.s32 $0x200, s26;
	vm0 =	vmand vm0, vm7;
	vm7 =	vne.s32 v23, v20;
	v13 =	vand.u32 $0x7FF, v20  }
0x4a: {  	v17 =	vld [tilespmem:s25+$0x70]  }
0x4b: {  	v18 =	vld [tilespmem:s25+$0x1070];
	v14 =	vadd.s32 $0x1400, v14  }
0x4c: {  	v19 =	vld [tilespmem:s25+$0x0];
	v37 =	vadd.s32 $0x1400, v15;
	v39 =	vadd.s32 $0x1400, v16;
	vm3 =	vmand vm7, vm3  }
0x4d: {  	v20 =	vld [tilespmem:s25+$0x10];
	vm8 =	vne.s32 v5, v12;
	v45 =	vand.u32 $0x7FF, v12;
	v47 =	vadd.s32 $0x1400, v11  }
0x4e: {  	v21 =	vld [tilespmem:s25+$0x20];
	v50 =	vadd.s32 $0x1400, v13;
	v8 =	vsel vm6, v8, v14;
	v7 =	vsel vm4, v7, v37  }
0x4f: {  	v36 =	vld [tilespmem:s25+$0x30];
	v9 =	vsel vm5, v9, v39;
	vm1 =	vmand vm8, vm1;
	vm9 =	vne.s32 v6, v10;
	[tilespmem:s24+$0x2000] =	vst v8  }
0x50: {  	v48 =	vand.u32 $0x7FF, v10;
	v4 =	vsel vm0, v4, v47;
	v5 =	vadd.s32 $0x1400, v45;
	v38 =	vld [tilespmem:s25+$0x40];
	[tilespmem:s24+$0x2010] =	vst v7  }
0x51: {  	v3 =	vsel vm3, v3, v50;
	vm2 =	vmand vm9, vm2;
	v41 =	vld [tilespmem:s25+$0x50];
	[tilespmem:s24+$0x2020] =	vst v9;
	v40 =	vsub.s32 v17, v0  }
0x52: {  	vm14 =	vne.s32 v17, v18;
	v42 =	vand.u32 $0x7FF, v18;
	v44 =	vld [tilespmem:s25+$0x60];
	vm15 =	vlt.u32 v40, $0x1400  }
0x53: {  	v2 =	vsel vm1, v2, v5;
	v46 =	vld [tilespmem:s25+$0x1000];
	v43 =	vadd.s32 $0x1400, v42;
	vm4 =	vmand vm14, vm15  }
0x54: {  	v49 =	vld [tilespmem:s25+$0x1010];
	v51 =	vsub.s32 v19, v0;
	v52 =	vsub.s32 v20, v0;
	v7 =	vsel vm4, v40, v43  }
0x55: {  	v54 =	vsub.s32 v21, v0;
	vm10 =	vlt.u32 v51, $0x1400;
	vm11 =	vlt.u32 v52, $0x1400;
	[tilespmem:s25+$0x2070] =	vst v7  }
0x56: {  	vm12 =	vlt.u32 v54, $0x1400;
	v56 =	vsub.s32 v38, v0;
	v7 =	vadd.s32 $0x1400, v48;
	[tilespmem:s24+$0x2030] =	vst v4  }
0x57: {  	v57 =	vsub.s32 v41, v0;
	vm14 =	vlt.u32 v56, $0x1400;
	v1 =	vsel vm2, v1, v7;
	v53 =	vld [tilespmem:s25+$0x1020]  }
0x58: {  	vm2 =	vlt.u32 v57, $0x1400;
	v58 =	vsub.s32 v44, v0;
	vm15 =	vne.s32 v19, v46;
	[tilespmem:s24+$0x2040] =	vst v3  }
0x59: {  	v6 =	vand.u32 $0x7FF, v49;
	v3 =	vsub.s32 v36, v0;
	vm9 =	vlt.u32 v58, $0x1400;
	v55 =	vld [tilespmem:s25+$0x1030];
	[tilespmem:s24+$0x2050] =	vst v2  }
0x5a: {  	vm3 =	vmand vm15, vm10;
	vm10 =	vne.s32 v20, v49;
	v2 =	vld [tilespmem:s25+$0x1040];
	[tilespmem:s24+$0x2060] =	vst v1;
	v1 =	vand.u32 $0x7FF, v46  }
0x5b: {  	v6 =	vadd.s32 $0x1400, v6;
	vm13 =	vlt.u32 v3, $0x1400;
	v59 =	vld [tilespmem:s25+$0x1050];
	v1 =	vadd.s32 $0x1400, v1  }
0x5c: {  	vm4 =	vmand vm10, vm11;
	v60 =	vld [tilespmem:s25+$0x1060];
	v1 =	vsel vm3, v51, v1;
	vm11 =	vne.s32 v21, v53  }
0x5d: {  	v10 =	vand.u32 $0x7FF, v53;
	[tilespmem:s25+$0x2000] =	vst v1;
	v1 =	vsel vm4, v52, v6;
	vm5 =	vmand vm11, vm12  }
0x5e: {  	vm12 =	vne.s32 v36, v55;
	v5 =	vand.u32 $0x7FF, v55;
	v62 =	vadd.s32 $0x1400, v10  }
0x5f: {  	vm1 =	vmand vm12, vm13;
	vm13 =	vne.s32 v38, v2;
	v2 =	vand.u32 $0x7FF, v2  }
0x60: {  	v5 =	vadd.s32 $0x1400, v5;
	v63 =	vsel vm5, v54, v62;
	vm6 =	vmand vm13, vm14  }
0x61: {  	[tilespmem:s25+$0x2010] =	vst v1;
	vm14 =	vne.s32 v41, v59;
	v61 =	vand.u32 $0x7FF, v59;
	vm15 =	vne.s32 v44, v60  }
0x62: {  	v1 =	vadd.s32 $0x1400, v2;
	[tilespmem:s25+$0x2020] =	vst v63;
	v2 =	vsel vm1, v3, v5;
	v3 =	vand.u32 $0x7FF, v60  }
0x63: {  	vm2 =	vmand vm14, vm2;
	v4 =	vadd.s32 $0x1400, v61;
	[tilespmem:s25+$0x2030] =	vst v2;
	v1 =	vsel vm6, v56, v1  }
0x64: {  	vm0 =	vmand vm15, vm9;
	v2 =	vadd.s32 $0x1400, v3;
	[tilespmem:s25+$0x2040] =	vst v1;
	v1 =	vsel vm2, v57, v4  }
0x65: {  	[tilespmem:s25+$0x2050] =	vst v1;
	v1 =	vsel vm0, v58, v2  }
0x66: {  	s28 =	simm.s32 $0x1000;
	[tilespmem:s25+$0x2060] =	vst v1  }
0x67: {  	[tilespmem:s19], [sflag:$0x1] =	stream.indirect.gather [hbm4b:s1+s18], $0x80, s28, s18, $0xb8;
	[tilespmem:$0x19000] =	vst v63  }
0x68: {  	s29 =	simm.s32 $0x1080  }
0x69: {  	[tilespmem:s20], [sflag:$0x2] =	stream.indirect.gather [hbm4b:s1+s18], $0x80, s29, s18, $0xb8;
	[tilespmem:$0x19000] =	vst v63  }
0x6a: {  	_ =	swait.ge [sflag:s21], $0x4000  }
0x6b: {  	[sflag:s21] =	ssyncset.done $0x0  }
0x6c: {  	s30 =	simm.s32 $0x2000;
	[sflag:s21] =	ssyncadd.s32 $0xFFFFC000  }
0x6d: {  	[spmem:s2] =	stream.indirect.scatter.add.f32 [tilespmem:s19], [sflag:$0x3], $0x80, s30, s18, $0xb8;
	[tilespmem:$0x19000] =	vst v63  }
0x6e: {  	_ =	swait.ge [sflag:s16], $0x4000  }
0x6f: {  	[sflag:s16] =	ssyncset.done $0x0  }
0x70: {  	[sflag:s16] =	ssyncadd.s32 $0xFFFFC000  }
0x71: {  	_ =	swait.ge [sflag:s22], $0x4000  }
0x72: {  	[sflag:s22] =	ssyncset.done $0x0  }
0x73: {  	s31 =	simm.s32 $0x2080;
	[sflag:s22] =	ssyncadd.s32 $0xFFFFC000  }
0x74: {  	[spmem:s2] =	stream.indirect.scatter.add.f32 [tilespmem:s20], [sflag:$0x3], $0x80, s31, s18, $0xb8;
	[tilespmem:$0x19000] =	vst v63  }
0x75: {  	_ =	swait.ge [sflag:s16], $0x4000  }
0x76: {  	s24 =	simm.s32 $0x100;
	s25 =	simm.s32 $0x800;
	[sflag:s16] =	ssyncset.done $0x0  }
.LBB2_5:
0x77: {  	s26 =	sadd.s32 $0x1000, s24  }
0x78: {  	[sflag:s16] =	ssyncadd.s32 $0xFFFFC000;
	s28 =	smov.u32 s25;
	s29 =	sadd.s32 $0x400, s25  }
0x79: {  	[tilespmem:s19], [sflag:$0x1] =	stream.indirect.gather [hbm4b:s1+s18], $0x80, s26, s18, $0xb8;
	[tilespmem:$0x19000] =	vst v63  }
0x7a: {  	p0 =	sne.s32 s25, $0x3C00;
	s25 =	sadd.s32 $0x1080, s24  }
0x7b: {  	[tilespmem:s20], [sflag:$0x2] =	stream.indirect.gather [hbm4b:s1+s18], $0x80, s25, s18, $0xb8;
	[tilespmem:$0x19000] =	vst v63  }
0x7c: {  	_ =	swait.ge [sflag:s21], $0x4000  }
0x7d: {  	[sflag:s21] =	ssyncset.done $0x0  }
0x7e: {  	s25 =	sadd.s32 $0x2000, s24;
	[sflag:s21] =	ssyncadd.s32 $0xFFFFC000  }
0x7f: {  	[spmem:s2] =	stream.indirect.scatter.add.f32 [tilespmem:s19], [sflag:$0x3], $0x80, s25, s18, $0xb8;
	[tilespmem:$0x19000] =	vst v63  }
0x80: {  	_ =	swait.ge [sflag:s16], $0x4000  }
0x81: {  	[sflag:s16] =	ssyncset.done $0x0  }
0x82: {  	[sflag:s16] =	ssyncadd.s32 $0xFFFFC000  }
0x83: {  	_ =	swait.ge [sflag:s22], $0x4000  }
.Ltmp1:
0x84: {  	[sflag:s22] =	ssyncset.done $0x0;
	(pc) =	sbr.rel @p0 .LBB2_5-.Ltmp1, $4  }
0x85: {  	s24 =	sadd.s32 $0x2080, s24;
	[sflag:s22] =	ssyncadd.s32 $0xFFFFC000  }
0x86: {  	[spmem:s2] =	stream.indirect.scatter.add.f32 [tilespmem:s20], [sflag:$0x3], $0x80, s24, s18, $0xb8;
	[tilespmem:$0x19000] =	vst v63  }
0x87: {  	_ =	swait.ge [sflag:s16], $0x4000  }
0x88: {  	s25 =	smov.u32 s29;
	s24 =	sshra.s32 s28, $0x2;
	[sflag:s16] =	ssyncset.done $0x0  }
0x89: {  	s25 =	sadd.s32 $0x1000, s24;
	[sflag:s16] =	ssyncadd.s32 $0xFFFFC000  }
0x8a: {  	[tilespmem:s19], [sflag:$0x1] =	stream.indirect.gather [hbm4b:s1+s18], $0x80, s25, s18, $0xb8;
	[tilespmem:$0x19000] =	vst v63  }
0x8b: {  	s29 =	sadd.s32 $0x1080, s24  }
0x8c: {  	[tilespmem:s20], [sflag:$0x2] =	stream.indirect.gather [hbm4b:s1+s18], $0x80, s29, s18, $0xb8;
	[tilespmem:$0x19000] =	vst v63  }
0x8d: {  	_ =	swait.ge [sflag:s21], $0x4000  }
0x8e: {  	[sflag:s21] =	ssyncset.done $0x0  }
0x8f: {  	s30 =	sadd.s32 $0x2000, s24;
	[sflag:s21] =	ssyncadd.s32 $0xFFFFC000  }
0x90: {  	[spmem:s2] =	stream.indirect.scatter.add.f32 [tilespmem:s19], [sflag:$0x3], $0x80, s30, s18, $0xb8;
	[tilespmem:$0x19000] =	vst v63  }
0x91: {  	_ =	swait.ge [sflag:s16], $0x4000  }
0x92: {  	[sflag:s16] =	ssyncset.done $0x0  }
0x93: {  	[sflag:s16] =	ssyncadd.s32 $0xFFFFC000  }
0x94: {  	s23 =	sadd.s32 $0x1, s23;
	_ =	swait.ge [sflag:s22], $0x4000  }
0x95: {  	p0 =	sne.s32 s23, $0x5;
	[sflag:s22] =	ssyncset.done $0x0  }
.Ltmp2:
0x96: {  	s31 =	sadd.s32 $0x2080, s24;
	[sflag:s22] =	ssyncadd.s32 $0xFFFFC000;
	(pc) =	sbr.rel @p0 .LBB2_2-.Ltmp2, $4  }
0x97: {  	[spmem:s2] =	stream.indirect.scatter.add.f32 [tilespmem:s20], [sflag:$0x3], $0x80, s31, s18, $0xb8;
	[tilespmem:$0x19000] =	vst v63  }
0x98: {  	_ =	swait.ge [sflag:s16], $0x4000  }
0x99: {  	[sflag:s16] =	ssyncset.done $0x0  }
0x9a: {  	[sflag:s16] =	ssyncadd.s32 $0xFFFFC000  }
0x9b: {  	[bflag:$0x0] =	sbarrier.arrive $0xFFFF;
	s23 =	sshrl.u32 s11, $0x3  }
0x9c: {  	[hbm:s12], [sflag:s9] =	dma.local [spmem:s23], $0x1400  }
0x9d: {  	_ =	swait.ge [sflag:s16], $0x1400  }
0x9e: {  	[sflag:s16] =	ssyncset.done $0x0  }
0x9f: {  	[sflag:s16] =	ssyncadd.s32 $0xFFFFEC00  }
0xa0: {  	[bflag:$0x0] =	sbarrier.arrive $0xFFFF  }
0xa1: {  	[spmem:s15], [sflag:s9] =	dma.local [hbm:s8], $0x1C00  }
0xa2: {  	_ =	swait.ge [sflag:s16], $0x1C00  }
0xa3: {  	[sflag:s16] =	ssyncset.done $0x0  }
0xa4: {  	s24 =	simm.s32 $0x0;
	[sflag:s16] =	ssyncadd.s32 $0xFFFFE400  }
0xa5: {  	[tilespmem:s19], [sflag:$0x3] =	stream.linear.gather [hbm4b:s7+s24], $0x4000, $0x38;
	[tilespmem:$0x19000] =	vst v63  }
0xa6: {  	_ =	swait.ge [sflag:s16], $0x4000  }
0xa7: {  	[sflag:s16] =	ssyncset.done $0x0  }
0xa8: {  	[sflag:s16] =	ssyncadd.s32 $0xFFFFC000  }
0xa9: {  	s25 =	simm.s32 $0x0;
	[bflag:$0x0] =	sbarrier.arrive $0xFFFF  }
.LBB2_8:
0xaa: {  	s26 =	sshll.u32 s25, $0xC  }
0xab: {  	s26 =	sadd.s32 s10, s26  }
0xac: {  	s26 =	sshrl.u32 s26, $0x3  }
0xad: {  	s28 =	sadd.s32 s5, s26  }
0xae: {  	[tilespmem:s24], [sflag:$0x3] =	stream.linear.gather [hbm4b:s28+s24], $0x1000, $0x38;
	[tilespmem:$0x19000] =	vst v63  }
0xaf: {  	_ =	swait.ge [sflag:s16], $0x1000  }
0xb0: {  	[sflag:s16] =	ssyncset.done $0x0  }
0xb1: {  	s26 =	sadd.s32 s6, s26;
	[sflag:s16] =	ssyncadd.s32 $0xFFFFF000  }
0xb2: {  	[tilespmem:s17], [sflag:$0x3] =	stream.linear.gather [hbm4b:s26+s24], $0x1000, $0x38;
	[tilespmem:$0x19000] =	vst v63  }
0xb3: {  	_ =	swait.ge [sflag:s16], $0x1000  }
0xb4: {  	[sflag:s16] =	ssyncset.done $0x0  }
0xb5: {  	s26 =	simm.s32 $0x0;
	[sflag:s16] =	ssyncadd.s32 $0xFFFFF000  }
0xb6: {  	v1 =	vld [tilespmem:s26+$0x70]  }
0xb7: {  	v2 =	vld [tilespmem:s26+$0x1070]  }
0xb8: {  	v10 =	vld [tilespmem:s26+$0x0]  }
0xb9: {  	v11 =	vld [tilespmem:s26+$0x10]  }
0xba: {  	v12 =	vld [tilespmem:s26+$0x20]  }
0xbb: {  	v13 =	vld [tilespmem:s26+$0x30]  }
0xbc: {  	v5 =	vld [tilespmem:s26+$0x50]  }
0xbd: {  	v14 =	vld [tilespmem:s26+$0x1000];
	_ =	sdelay $0x1  }
0xbe: {  	v17 =	vld [tilespmem:s26+$0x40];
	v3 =	vsub.s32 v1, v0;
	vm0 =	vne.s32 v1, v2  }
0xbf: {  	v15 =	vld [tilespmem:s26+$0x1010];
	v1 =	vand.u32 $0x7FF, v2;
	v8 =	vsub.s32 v10, v0;
	v7 =	vsub.s32 v11, v0  }
0xc0: {  	v16 =	vld [tilespmem:s26+$0x1020];
	v9 =	vsub.s32 v12, v0;
	v4 =	vsub.s32 v13, v0;
	v2 =	vsub.s32 v5, v0  }
0xc1: {  	v6 =	vld [tilespmem:s26+$0x60];
	vm6 =	vne.s32 v10, v14;
	v14 =	vand.u32 $0x7FF, v14;
	vm1 =	vlt.u32 v3, $0x1400  }
0xc2: {  	v18 =	vld [tilespmem:s26+$0x1030];
	v1 =	vadd.s32 $0x1400, v1;
	vm4 =	vlt.u32 v7, $0x1400;
	vm0 =	vmand vm0, vm1  }
0xc3: {  	vm5 =	vlt.u32 v9, $0x1400;
	v1 =	vsel vm0, v3, v1;
	vm0 =	vlt.u32 v8, $0x1400  }
0xc4: {  	v19 =	vld [tilespmem:s26+$0x1040];
	vm7 =	vlt.u32 v4, $0x1400;
	vm6 =	vmand vm6, vm0;
	vm0 =	vne.s32 v11, v15  }
0xc5: {  	v3 =	vsub.s32 v17, v0;
	vm4 =	vmand vm0, vm4;
	vm0 =	vne.s32 v12, v16;
	v12 =	vld [tilespmem:s26+$0x1050]  }
0xc6: {  	v10 =	vld [tilespmem:s26+$0x1060];
	vm1 =	vlt.u32 v2, $0x1400;
	[tilespmem:s26+$0x2070] =	vst v1;
	vm3 =	vlt.u32 v3, $0x1400;
	v1 =	vsub.s32 v6, v0  }
0xc7: {  	v15 =	vand.u32 $0x7FF, v15;
	v11 =	vand.u32 $0x7FF, v18;
	vm2 =	vlt.u32 v1, $0x1400  }
0xc8: {  	v16 =	vand.u32 $0x7FF, v16;
	vm5 =	vmand vm0, vm5;
	vm0 =	vne.s32 v13, v18  }
0xc9: {  	s29 =	simm.s32 $0x400;
	s28 =	simm.s32 $0x80;
	v13 =	vand.u32 $0x7FF, v19;
	vm0 =	vmand vm0, vm7;
	vm7 =	vne.s32 v17, v19  }
.LBB2_9:
0xca: {  	p0 =	sne.s32 s29, $0x3E00;
	v17 =	vld [tilespmem:s28+$0x70];
	vm3 =	vmand vm7, vm3;
	vm7 =	vne.s32 v5, v12;
	v5 =	vand.u32 $0x7FF, v12  }
0xcb: {  	v12 =	vld [tilespmem:s28+$0x1070];
	vm1 =	vmand vm7, vm1;
	vm7 =	vne.s32 v6, v10;
	v6 =	vand.u32 $0x7FF, v10  }
0xcc: {  	v14 =	vadd.s32 $0x1400, v14;
	v15 =	vadd.s32 $0x1400, v15;
	v10 =	vld [tilespmem:s28+$0x0];
	vm2 =	vmand vm7, vm2  }
0xcd: {  	v16 =	vadd.s32 $0x1400, v16;
	v11 =	vadd.s32 $0x1400, v11;
	v13 =	vadd.s32 $0x1400, v13;
	v18 =	vld [tilespmem:s28+$0x10]  }
0xce: {  	v8 =	vsel vm6, v8, v14;
	v14 =	vadd.s32 $0x1400, v5;
	v20 =	vadd.s32 $0x1400, v6;
	v19 =	vld [tilespmem:s28+$0x20]  }
0xcf: {  	v5 =	vsel vm4, v7, v15;
	v6 =	vsel vm5, v9, v16;
	v21 =	vld [tilespmem:s28+$0x30];
	v22 =	vsub.s32 v17, v0;
	[tilespmem:s26+$0x2000] =	vst v8  }
0xd0: {  	v23 =	vld [tilespmem:s28+$0x40];
	vm4 =	vne.s32 v17, v12;
	vm5 =	vlt.u32 v22, $0x1400;
	v7 =	vand.u32 $0x7FF, v12;
	[tilespmem:s26+$0x2010] =	vst v5  }
0xd1: {  	v8 =	vsub.s32 v10, v0;
	v5 =	vld [tilespmem:s28+$0x50];
	vm5 =	vmand vm4, vm5;
	v9 =	vadd.s32 $0x1400, v7;
	[tilespmem:s26+$0x2020] =	vst v6  }
0xd2: {  	vm4 =	vlt.u32 v8, $0x1400;
	v7 =	vsub.s32 v18, v0;
	v6 =	vld [tilespmem:s28+$0x60];
	v12 =	vsel vm5, v22, v9  }
0xd3: {  	v11 =	vsel vm0, v4, v11;
	v15 =	vld [tilespmem:s28+$0x1000];
	vm5 =	vlt.u32 v7, $0x1400;
	v9 =	vsub.s32 v19, v0;
	[tilespmem:s28+$0x2070] =	vst v12  }
0xd4: {  	v16 =	vld [tilespmem:s28+$0x1010];
	vm0 =	vlt.u32 v9, $0x1400;
	v4 =	vsub.s32 v21, v0;
	[tilespmem:s26+$0x2030] =	vst v11;
	v11 =	vsel vm3, v3, v13  }
0xd5: {  	v13 =	vld [tilespmem:s28+$0x1020];
	vm7 =	vlt.u32 v4, $0x1400;
	v3 =	vsub.s32 v23, v0;
	[tilespmem:s26+$0x2040] =	vst v11;
	v11 =	vsel vm1, v2, v14  }
0xd6: {  	v17 =	vld [tilespmem:s28+$0x1030];
	vm3 =	vlt.u32 v3, $0x1400;
	v2 =	vsub.s32 v5, v0;
	[tilespmem:s26+$0x2050] =	vst v11;
	v11 =	vsel vm2, v1, v20  }
0xd7: {  	v20 =	vld [tilespmem:s28+$0x1040];
	vm1 =	vlt.u32 v2, $0x1400;
	v1 =	vsub.s32 v6, v0;
	[tilespmem:s26+$0x2060] =	vst v11;
	s26 =	smov.u32 s28  }
.Ltmp3:
0xd8: {  	vm6 =	vne.s32 v10, v15;
	v14 =	vand.u32 $0x7FF, v15;
	v12 =	vld [tilespmem:s26+$0x1050];
	vm2 =	vlt.u32 v1, $0x1400;
	(pc) =	sbr.rel @p0 .LBB2_9-.Ltmp3, $4  }
0xd9: {  	vm6 =	vmand vm6, vm4;
	vm4 =	vne.s32 v18, v16;
	v15 =	vand.u32 $0x7FF, v16;
	v10 =	vld [tilespmem:s26+$0x1060]  }
0xda: {  	vm4 =	vmand vm4, vm5;
	vm5 =	vne.s32 v19, v13;
	v16 =	vand.u32 $0x7FF, v13  }
0xdb: {  	vm5 =	vmand vm5, vm0;
	vm0 =	vne.s32 v21, v17;
	v11 =	vand.u32 $0x7FF, v17  }
0xdc: {  	s28 =	sshra.s32 s29, $0x2;
	s29 =	sadd.s32 $0x200, s29;
	vm0 =	vmand vm0, vm7;
	vm7 =	vne.s32 v23, v20;
	v13 =	vand.u32 $0x7FF, v20  }
0xdd: {  	v17 =	vld [tilespmem:s28+$0x70]  }
0xde: {  	v18 =	vld [tilespmem:s28+$0x1070];
	v14 =	vadd.s32 $0x1400, v14  }
0xdf: {  	v19 =	vld [tilespmem:s28+$0x0];
	v37 =	vadd.s32 $0x1400, v15;
	v39 =	vadd.s32 $0x1400, v16;
	vm3 =	vmand vm7, vm3  }
0xe0: {  	v20 =	vld [tilespmem:s28+$0x10];
	vm8 =	vne.s32 v5, v12;
	v45 =	vand.u32 $0x7FF, v12;
	v47 =	vadd.s32 $0x1400, v11  }
0xe1: {  	v21 =	vld [tilespmem:s28+$0x20];
	v50 =	vadd.s32 $0x1400, v13;
	v8 =	vsel vm6, v8, v14;
	v7 =	vsel vm4, v7, v37  }
0xe2: {  	v36 =	vld [tilespmem:s28+$0x30];
	v9 =	vsel vm5, v9, v39;
	vm1 =	vmand vm8, vm1;
	vm9 =	vne.s32 v6, v10;
	[tilespmem:s26+$0x2000] =	vst v8  }
0xe3: {  	v48 =	vand.u32 $0x7FF, v10;
	v4 =	vsel vm0, v4, v47;
	v5 =	vadd.s32 $0x1400, v45;
	v38 =	vld [tilespmem:s28+$0x40];
	[tilespmem:s26+$0x2010] =	vst v7  }
0xe4: {  	v3 =	vsel vm3, v3, v50;
	vm2 =	vmand vm9, vm2;
	v41 =	vld [tilespmem:s28+$0x50];
	[tilespmem:s26+$0x2020] =	vst v9;
	v40 =	vsub.s32 v17, v0  }
0xe5: {  	vm14 =	vne.s32 v17, v18;
	v42 =	vand.u32 $0x7FF, v18;
	v44 =	vld [tilespmem:s28+$0x60];
	vm15 =	vlt.u32 v40, $0x1400  }
0xe6: {  	v2 =	vsel vm1, v2, v5;
	v46 =	vld [tilespmem:s28+$0x1000];
	v43 =	vadd.s32 $0x1400, v42;
	vm4 =	vmand vm14, vm15  }
0xe7: {  	v49 =	vld [tilespmem:s28+$0x1010];
	v51 =	vsub.s32 v19, v0;
	v52 =	vsub.s32 v20, v0;
	v7 =	vsel vm4, v40, v43  }
0xe8: {  	v54 =	vsub.s32 v21, v0;
	vm10 =	vlt.u32 v51, $0x1400;
	vm11 =	vlt.u32 v52, $0x1400;
	[tilespmem:s28+$0x2070] =	vst v7  }
0xe9: {  	vm12 =	vlt.u32 v54, $0x1400;
	v56 =	vsub.s32 v38, v0;
	v7 =	vadd.s32 $0x1400, v48;
	[tilespmem:s26+$0x2030] =	vst v4  }
0xea: {  	v57 =	vsub.s32 v41, v0;
	vm14 =	vlt.u32 v56, $0x1400;
	v1 =	vsel vm2, v1, v7;
	v53 =	vld [tilespmem:s28+$0x1020]  }
0xeb: {  	vm2 =	vlt.u32 v57, $0x1400;
	v58 =	vsub.s32 v44, v0;
	vm15 =	vne.s32 v19, v46;
	[tilespmem:s26+$0x2040] =	vst v3  }
0xec: {  	v6 =	vand.u32 $0x7FF, v49;
	v3 =	vsub.s32 v36, v0;
	vm9 =	vlt.u32 v58, $0x1400;
	v55 =	vld [tilespmem:s28+$0x1030];
	[tilespmem:s26+$0x2050] =	vst v2  }
0xed: {  	vm3 =	vmand vm15, vm10;
	vm10 =	vne.s32 v20, v49;
	v2 =	vld [tilespmem:s28+$0x1040];
	[tilespmem:s26+$0x2060] =	vst v1;
	v1 =	vand.u32 $0x7FF, v46  }
0xee: {  	v6 =	vadd.s32 $0x1400, v6;
	vm13 =	vlt.u32 v3, $0x1400;
	v59 =	vld [tilespmem:s28+$0x1050];
	v1 =	vadd.s32 $0x1400, v1  }
0xef: {  	vm4 =	vmand vm10, vm11;
	v60 =	vld [tilespmem:s28+$0x1060];
	v1 =	vsel vm3, v51, v1;
	vm11 =	vne.s32 v21, v53  }
0xf0: {  	v10 =	vand.u32 $0x7FF, v53;
	[tilespmem:s28+$0x2000] =	vst v1;
	v1 =	vsel vm4, v52, v6;
	vm5 =	vmand vm11, vm12  }
0xf1: {  	vm12 =	vne.s32 v36, v55;
	v5 =	vand.u32 $0x7FF, v55;
	v62 =	vadd.s32 $0x1400, v10  }
0xf2: {  	vm1 =	vmand vm12, vm13;
	vm13 =	vne.s32 v38, v2;
	v2 =	vand.u32 $0x7FF, v2  }
0xf3: {  	v5 =	vadd.s32 $0x1400, v5;
	v63 =	vsel vm5, v54, v62;
	vm6 =	vmand vm13, vm14  }
0xf4: {  	[tilespmem:s28+$0x2010] =	vst v1;
	vm14 =	vne.s32 v41, v59;
	v61 =	vand.u32 $0x7FF, v59;
	vm15 =	vne.s32 v44, v60  }
0xf5: {  	v1 =	vadd.s32 $0x1400, v2;
	[tilespmem:s28+$0x2020] =	vst v63;
	v2 =	vsel vm1, v3, v5;
	v3 =	vand.u32 $0x7FF, v60  }
0xf6: {  	vm2 =	vmand vm14, vm2;
	v4 =	vadd.s32 $0x1400, v61;
	[tilespmem:s28+$0x2030] =	vst v2;
	v1 =	vsel vm6, v56, v1  }
0xf7: {  	vm0 =	vmand vm15, vm9;
	v2 =	vadd.s32 $0x1400, v3;
	[tilespmem:s28+$0x2040] =	vst v1;
	v1 =	vsel vm2, v57, v4  }
0xf8: {  	[tilespmem:s28+$0x2050] =	vst v1;
	v1 =	vsel vm0, v58, v2  }
0xf9: {  	s30 =	simm.s32 $0x2000;
	[tilespmem:s28+$0x2060] =	vst v1  }
0xfa: {  	[spmem:s2] =	stream.indirect.scatter.add.f32 [tilespmem:s19], [sflag:$0x3], $0x80, s30, s18, $0xb8;
	[tilespmem:$0x19000] =	vst v63  }
0xfb: {  	_ =	swait.ge [sflag:s16], $0x4000  }
0xfc: {  	[sflag:s16] =	ssyncset.done $0x0  }
0xfd: {  	s31 =	simm.s32 $0x2080;
	[sflag:s16] =	ssyncadd.s32 $0xFFFFC000  }
0xfe: {  	[spmem:s2] =	stream.indirect.scatter.add.f32 [tilespmem:s19], [sflag:$0x3], $0x80, s31, s18, $0xb8;
	[tilespmem:$0x19000] =	vst v63  }
0xff: {  	_ =	swait.ge [sflag:s16], $0x4000  }
0x100: {  	s26 =	simm.s32 $0x100;
	s28 =	simm.s32 $0x800;
	[sflag:s16] =	ssyncset.done $0x0  }
.LBB2_11:
0x101: {  	s29 =	sadd.s32 $0x2000, s26  }
0x102: {  	[sflag:s16] =	ssyncadd.s32 $0xFFFFC000;
	s30 =	smov.u32 s28;
	s31 =	sadd.s32 $0x400, s28  }
0x103: {  	[spmem:s2] =	stream.indirect.scatter.add.f32 [tilespmem:s19], [sflag:$0x3], $0x80, s29, s18, $0xb8;
	[tilespmem:$0x19000] =	vst v63  }
0x104: {  	p0 =	sne.s32 s28, $0x3C00;
	_ =	swait.ge [sflag:s16], $0x4000  }
.Ltmp4:
0x105: {  	[sflag:s16] =	ssyncset.done $0x0;
	(pc) =	sbr.rel @p0 .LBB2_11-.Ltmp4, $4  }
0x106: {  	s26 =	sadd.s32 $0x2080, s26;
	[sflag:s16] =	ssyncadd.s32 $0xFFFFC000  }
0x107: {  	[spmem:s2] =	stream.indirect.scatter.add.f32 [tilespmem:s19], [sflag:$0x3], $0x80, s26, s18, $0xb8;
	[tilespmem:$0x19000] =	vst v63  }
0x108: {  	_ =	swait.ge [sflag:s16], $0x4000  }
0x109: {  	s28 =	smov.u32 s31;
	s26 =	sshra.s32 s30, $0x2;
	[sflag:s16] =	ssyncset.done $0x0  }
0x10a: {  	s28 =	sadd.s32 $0x2000, s26;
	[sflag:s16] =	ssyncadd.s32 $0xFFFFC000  }
0x10b: {  	[spmem:s2] =	stream.indirect.scatter.add.f32 [tilespmem:s19], [sflag:$0x3], $0x80, s28, s18, $0xb8;
	[tilespmem:$0x19000] =	vst v63  }
0x10c: {  	s25 =	sadd.s32 $0x1, s25;
	_ =	swait.ge [sflag:s16], $0x4000  }
0x10d: {  	p0 =	sne.s32 s25, $0x5;
	[sflag:s16] =	ssyncset.done $0x0  }
.Ltmp5:
0x10e: {  	s31 =	sadd.s32 $0x2080, s26;
	[sflag:s16] =	ssyncadd.s32 $0xFFFFC000;
	(pc) =	sbr.rel @p0 .LBB2_8-.Ltmp5, $4  }
0x10f: {  	[spmem:s2] =	stream.indirect.scatter.add.f32 [tilespmem:s19], [sflag:$0x3], $0x80, s31, s18, $0xb8;
	[tilespmem:$0x19000] =	vst v63  }
0x110: {  	_ =	swait.ge [sflag:s16], $0x4000  }
0x111: {  	[sflag:s16] =	ssyncset.done $0x0  }
0x112: {  	[sflag:s16] =	ssyncadd.s32 $0xFFFFC000  }
0x113: {  	s4 =	sadd.s32 $0x1, s4  }
0x114: {  	p0 =	sne.s32 s4, s14  }
.Ltmp6:
0x115: {  	[bflag:$0x0] =	sbarrier.arrive $0xFFFF;
	(pc) =	sbr.rel @p0 .LBB2_1-.Ltmp6, $4  }
0x116: {  	[hbm:s13], [sflag:s9] =	dma.local [spmem:s23], $0x1400  }
0x117: {  	_ =	swait.ge [sflag:s16], $0x1400  }
0x118: {  	[sflag:s16] =	ssyncset.done $0x0  }
0x119: {  	[sflag:s16] =	ssyncadd.s32 $0xFFFFEC00  }
0x11a: {  	_ =	sfence.sel $0x180000  }
0x11b: {  	[bflag:$0x0] =	sbarrier.arrive $0xFFFF  }
0x11c: {  	p0 =	sne.s32 s3, $0x0;
	_ =	strace $0x90000047  }
0x11d: {  	s0 =	sadd.s32 @!p0 $0x100000, s0;
	[bflag:$0x2] =	sbarrier.arrive $0xFFFF  }
0x11e: {  	[sflag:s0] =	ssyncadd.tile.s32 @!p0 $0x1;
	_ =	shalt  }
.Lfunc_end2:
_tile_overlayer_lowered:
.L_overlay_start_2:
0x11f: {  	(tag) =	ssettag $0x2  }
0x120: {  	s0 =	rddreg [dreg:$0x0];
	s2 =	stileid.u32  }
0x121: {  	s1 =	rddreg [dreg:$0x1];
	p0 =	sne.s32 s2, $0x0  }
0x122: {  	s3 =	rddreg [dreg:$0x2];
	[bflag:$0x3] =	sbarrier.arrive $0xFFFF;
	s2 =	simm.s32 @!p0 $0x1C03  }
0x123: {  	[timem:s3], [sflag:s2] =	dma.local @!p0 [hbm:s0], s1  }
0x124: {  	s0 =	simm.s32 @!p0 $0x3  }
0x125: {  	_ =	swait.ge @!p0 [sflag:s0], s1  }
0x126: {  	s1 =	ssub.s32 @!p0 $0x0, s1;
	[sflag:s0] =	ssyncset.done @!p0 $0x0  }
0x127: {  	[sflag:s0] =	ssyncadd.s32 @!p0 s1  }
0x128: {  	[bflag:$0x3] =	sbarrier.arrive $0xFFFF  }
0x129: {  	_ =	shalt  }

</sc_bundles>
